<compile_context>
chip_gen: v7x
topology: tpu7x:2x2x1
jax: 0.10.2.dev20260603
libtpu: 0.0.44.dev20260713+nightly
codegen_flags: <defaults>
</compile_context>

<pallas_src>
import functools
import math

import jax
import jax.numpy as jnp
from jax.experimental import pallas as pl
from jax.experimental.pallas import tpu as pltpu

_BF = jnp.bfloat16
_SQRT2 = math.sqrt(2.0)


def _gelu(x):
    return 0.5 * x * (1.0 + jax.lax.erf(x / _SQRT2))


def _ln(x, g, b, eps=1e-5):
    m = jnp.mean(x, axis=-1, keepdims=True)
    v = jnp.mean((x - m) ** 2, axis=-1, keepdims=True)
    return (x - m) * jax.lax.rsqrt(v + eps) * g + b


def _ln_kernel(x_ref, g_ref, b_ref, o_ref):
    o_ref[0] = _ln(x_ref[0], g_ref[0], b_ref[0]).astype(_BF)


def _ln_block(x, g, b, ts):
    B, S, D = x.shape
    return pl.pallas_call(
        _ln_kernel,
        grid=(B, S // ts),
        in_specs=[
            pl.BlockSpec((1, ts, D), lambda i, j: (i, j, 0)),
            pl.BlockSpec((1, D), lambda i, j: (0, 0)),
            pl.BlockSpec((1, D), lambda i, j: (0, 0)),
        ],
        out_specs=pl.BlockSpec((1, ts, D), lambda i, j: (i, j, 0)),
        out_shape=jax.ShapeDtypeStruct((B, S, D), _BF),
        compiler_params=pltpu.CompilerParams(
            dimension_semantics=("parallel", "parallel")),
    )(x, g, b)


def _conv_kernel(h0, h1, h2, h3, h4, w_ref, cb_ref, r_ref, o_ref):
    acc = jnp.zeros(r_ref.shape[1:], jnp.float32)
    for k, h_ref in enumerate((h0, h1, h2, h3, h4)):
        acc += jax.lax.dot_general(
            h_ref[0], w_ref[k],
            (((1,), (1,)), ((), ())), preferred_element_type=jnp.float32)
    o_ref[0] = _gelu(acc + cb_ref[0]) + r_ref[0]


def _conv_block(x, g, b, w_kio, cb, ts):
    B, S, D = x.shape
    KS = w_kio.shape[0]
    P = KS // 2
    hn = _ln_block(x, g, b, ts)
    hp = jnp.pad(hn, ((0, 0), (P, P), (0, 0)))
    shifts = [hp[:, k:k + S] for k in range(KS)]
    blk = pl.BlockSpec((1, ts, D), lambda i, j: (i, j, 0))
    return pl.pallas_call(
        _conv_kernel,
        grid=(B, S // ts),
        in_specs=[blk] * KS + [
            pl.BlockSpec((KS, D, D), lambda i, j: (0, 0, 0)),
            pl.BlockSpec((1, D), lambda i, j: (0, 0)),
            blk,
        ],
        out_specs=blk,
        out_shape=jax.ShapeDtypeStruct((B, S, D), jnp.float32),
        compiler_params=pltpu.CompilerParams(
            dimension_semantics=("parallel", "parallel")),
    )(*shifts, w_kio, cb, x)


def _qkv_kernel(x_ref, g_ref, b_ref, wq_ref, wk_ref, wv_ref, pb_ref,
                q_ref, k_ref, v_ref):
    h = _ln(x_ref[0], g_ref[0], b_ref[0]).astype(_BF)
    D = h.shape[-1]
    for w_ref, o_ref, off in ((wq_ref, q_ref, 0), (wk_ref, k_ref, D),
                              (wv_ref, v_ref, 2 * D)):
        y = jax.lax.dot_general(
            h, w_ref[...], (((1,), (1,)), ((), ())),
            preferred_element_type=jnp.float32)
        o_ref[0] = (y + pb_ref[0, off:off + D]).astype(_BF)


def _qkv_block(x, g, b, wq, wk, wv, pb, ts):
    B, S, D = x.shape
    out = jax.ShapeDtypeStruct((B, S, D), _BF)
    return pl.pallas_call(
        _qkv_kernel,
        grid=(B, S // ts),
        in_specs=[
            pl.BlockSpec((1, ts, D), lambda i, j: (i, j, 0)),
            pl.BlockSpec((1, D), lambda i, j: (0, 0)),
            pl.BlockSpec((1, D), lambda i, j: (0, 0)),
            pl.BlockSpec((D, D), lambda i, j: (0, 0)),
            pl.BlockSpec((D, D), lambda i, j: (0, 0)),
            pl.BlockSpec((D, D), lambda i, j: (0, 0)),
            pl.BlockSpec((1, 3 * D), lambda i, j: (0, 0)),
        ],
        out_specs=[pl.BlockSpec((1, ts, D), lambda i, j: (i, j, 0))] * 3,
        out_shape=[out, out, out],
        compiler_params=pltpu.CompilerParams(
            dimension_semantics=("parallel", "parallel")),
    )(x, g, b, wq, wk, wv, pb)


def _attn_kernel(q_ref, k_ref, v_ref, o_ref, *, H):
    q = q_ref[0]
    D = q.shape[-1]
    dh = D // H
    outs = []
    for h in range(H):
        sl = slice(h * dh, (h + 1) * dh)
        s = jax.lax.dot_general(
            q[:, sl], k_ref[0][:, sl], (((1,), (1,)), ((), ())),
            preferred_element_type=jnp.float32)
        p = jnp.exp(jnp.minimum(s, 60.0))
        denom = jnp.sum(p, axis=-1, keepdims=True)
        o = jnp.dot(p.astype(_BF), v_ref[0][:, sl],
                    preferred_element_type=jnp.float32)
        outs.append(o * (1.0 / denom))
    o_ref[0] = jnp.concatenate(outs, axis=-1).astype(_BF)


def _attn_block(q, k, v, H, tq):
    B, S, D = q.shape
    return pl.pallas_call(
        functools.partial(_attn_kernel, H=H),
        grid=(B, S // tq),
        in_specs=[
            pl.BlockSpec((1, tq, D), lambda i, j: (i, j, 0)),
            pl.BlockSpec((1, S, D), lambda i, j: (i, 0, 0)),
            pl.BlockSpec((1, S, D), lambda i, j: (i, 0, 0)),
        ],
        out_specs=pl.BlockSpec((1, tq, D), lambda i, j: (i, j, 0)),
        out_shape=jax.ShapeDtypeStruct((B, S, D), _BF),
        compiler_params=pltpu.CompilerParams(
            dimension_semantics=("parallel", "parallel")),
    )(q, k, v)


def _proj_kernel(o_ref, w_ref, b_ref, r_ref, y_ref):
    y = jax.lax.dot_general(
        o_ref[0], w_ref[...], (((1,), (1,)), ((), ())),
        preferred_element_type=jnp.float32)
    y_ref[0] = y + b_ref[0] + r_ref[0]


def _proj_block(o, w, b, res, ts):
    B, S, D = o.shape
    return pl.pallas_call(
        _proj_kernel,
        grid=(B, S // ts),
        in_specs=[
            pl.BlockSpec((1, ts, D), lambda i, j: (i, j, 0)),
            pl.BlockSpec((D, D), lambda i, j: (0, 0)),
            pl.BlockSpec((1, D), lambda i, j: (0, 0)),
            pl.BlockSpec((1, ts, D), lambda i, j: (i, j, 0)),
        ],
        out_specs=pl.BlockSpec((1, ts, D), lambda i, j: (i, j, 0)),
        out_shape=jax.ShapeDtypeStruct((B, S, D), jnp.float32),
        compiler_params=pltpu.CompilerParams(
            dimension_semantics=("parallel", "parallel")),
    )(o, w, b, res)


def _moe_kernel(tg_ref, nt_ref, xs_ref, w1_ref, b1_ref, w2_ref, b2_ref,
                o_ref, *, tn, n_exp):
    e = pl.program_id(0)
    t = pl.program_id(1)

    @pl.when(t < nt_ref[0])
    def _():
        xt = xs_ref[...]
        h = jax.lax.dot_general(
            xt, w1_ref[0, 0], (((1,), (0,)), ((), ())),
            preferred_element_type=jnp.float32)
        h = _gelu(h * (1.0 / 16.0) + b1_ref[0, 0, 0])
        hq = (h * 8.0).astype(jnp.float8_e4m3fn)
        y = jax.lax.dot_general(
            hq, w2_ref[0, 0], (((1,), (0,)), ((), ())),
            preferred_element_type=jnp.float32)
        y = y * (1.0 / (16.0 * 8.0)) + b2_ref[0, 0, 0]
        y = y * (1.0 / n_exp)
        sl = pl.ds(t * tn, tn)

        @pl.when(e == 0)
        def _():
            o_ref[sl, :] = y

        @pl.when(e > 0)
        def _():
            o_ref[sl, :] = o_ref[sl, :] + y


def _moe_block(xs, tg, ntiles, w1, b1, w2, b2, tn):
    NP, D = xs.shape
    E, F = w1.shape[1], w1.shape[3]
    T = NP // tn

    def _tc(t, nt):
        return jnp.minimum(t, jnp.maximum(nt[0] - 1, 0))

    grid_spec = pltpu.PrefetchScalarGridSpec(
        num_scalar_prefetch=2,
        grid=(E, T),
        in_specs=[
            pl.BlockSpec((tn, D), lambda e, t, tg, nt: (_tc(t, nt), 0)),
            pl.BlockSpec((1, 1, D, F),
                         lambda e, t, tg, nt: (tg[_tc(t, nt)], e, 0, 0)),
            pl.BlockSpec((1, 1, 1, F),
                         lambda e, t, tg, nt: (tg[_tc(t, nt)], e, 0, 0)),
            pl.BlockSpec((1, 1, F, D),
                         lambda e, t, tg, nt: (tg[_tc(t, nt)], e, 0, 0)),
            pl.BlockSpec((1, 1, 1, D),
                         lambda e, t, tg, nt: (tg[_tc(t, nt)], e, 0, 0)),
        ],
        out_specs=pl.BlockSpec((NP, D), lambda e, t, tg, nt: (0, 0)),
    )
    return pl.pallas_call(
        functools.partial(_moe_kernel, tn=tn, n_exp=E),
        grid_spec=grid_spec,
        out_shape=jax.ShapeDtypeStruct((NP, D), jnp.float32),
        compiler_params=pltpu.CompilerParams(
            dimension_semantics=("arbitrary", "arbitrary")),
    )(tg, ntiles, xs, w1, b1, w2, b2)


def kernel(x, conv_norm_g, conv_norm_b, conv_w, conv_b, attn_norm_g,
           attn_norm_b, in_proj_w, in_proj_b, out_proj_w, out_proj_b,
           w1, b1, w2, b2, group_ids):
    B, S, D = x.shape
    G, E, _, F = w1.shape
    N = B * S
    H = 16 if D == 1024 else max(1, D // 64)
    ts = min(512, S)
    tq = min(512, S)
    tn = min(512, N)

    r2 = lambda a: a.reshape(1, -1)

    w_kio = jnp.transpose(conv_w, (2, 0, 1)).astype(_BF)
    x1 = _conv_block(x, r2(conv_norm_g), r2(conv_norm_b), w_kio, r2(conv_b),
                     ts)

    scale = 1.0 / math.sqrt(D // H)
    wq = (in_proj_w[:D] * scale).astype(_BF)
    wk = in_proj_w[D:2 * D].astype(_BF)
    wv = in_proj_w[2 * D:].astype(_BF)
    ipb = jnp.concatenate([in_proj_b[:D] * scale, in_proj_b[D:]])
    q, k, v = _qkv_block(x1, r2(attn_norm_g), r2(attn_norm_b), wq, wk, wv,
                         r2(ipb), ts)
    o = _attn_block(q, k, v, H, tq)
    x2 = _proj_block(o, out_proj_w.astype(_BF), r2(out_proj_b), x1, ts)

    gids = group_ids.reshape(-1).astype(jnp.int32)
    order = jnp.argsort(gids, stable=True).astype(jnp.int32)
    counts = jnp.bincount(gids, length=G).astype(jnp.int32)
    starts = jnp.concatenate(
        [jnp.zeros((1,), jnp.int32), jnp.cumsum(counts)[:-1].astype(jnp.int32)])
    gtiles = (counts + tn - 1) // tn
    tstart = jnp.concatenate(
        [jnp.zeros((1,), jnp.int32),
         jnp.cumsum(gtiles)[:-1].astype(jnp.int32)])
    ntiles = (tstart[-1] + gtiles[-1]).reshape(1)

    NP = N + G * tn
    T = NP // tn
    tr = jnp.arange(T, dtype=jnp.int32)
    tg = (jnp.sum(tr[:, None] >= tstart[None, :], axis=1) - 1).astype(jnp.int32)
    tg = jnp.clip(tg, 0, G - 1)

    sl_ = jnp.arange(NP, dtype=jnp.int32)
    tg_s = jnp.take(tg, sl_ // tn)
    local = sl_ - jnp.take(tstart, tg_s) * tn
    src = jnp.take(starts, tg_s) + local
    valid = local < jnp.take(counts, tg_s)
    idx = jnp.where(valid, jnp.take(order, jnp.clip(src, 0, N - 1)), N)

    _F8 = jnp.float8_e4m3fn
    xb = x2.reshape(N, D).astype(_F8)
    xs = jnp.take(xb, idx, axis=0, mode='fill', fill_value=0)
    moe = _moe_block(xs, tg, ntiles, (w1 * 16.0).astype(_F8),
                     b1[:, :, None, :], (w2 * 16.0).astype(_F8),
                     b2[:, :, None, :], tn)

    ar = jnp.arange(N, dtype=jnp.int32)
    inv = jnp.zeros((N,), jnp.int32).at[order].set(ar)
    slot = jnp.take(tstart, gids) * tn + (inv - jnp.take(starts, gids))
    moe_tok = jnp.take(moe, slot, axis=0)
    return x2 + moe_tok.reshape(B, S, D)

# --- scband reference (transcript-rebuilt; emitter-appended) ---
"""Pipeline reference for scband-mo-econformer-layer-26542897889750 (READ-ONLY COPY).

The authoritative reference and input builder live on the scoring server;
editing this copy changes nothing except your own understanding.
"""

import jax, jax.numpy as jnp
import numpy as np

B, S, D = 2, 2048, 1024
H = 16
KS = 5
G, E, F = 2, 8, 1024


def _layer_norm(x, g, b, eps=1e-5):
    m = jnp.mean(x, axis=-1, keepdims=True)
    v = jnp.mean((x - m) ** 2, axis=-1, keepdims=True)
    return (x - m) / jnp.sqrt(v + eps) * g + b


def setup_inputs(seed: int = 0) -> dict:
    key = jax.random.key(seed)
    ks = jax.random.split(key, 12)
    s = 0.02
    return {
        "x": jax.random.normal(ks[0], (B, S, D), dtype=jnp.float32),
        "conv_norm_g": jnp.ones((D,), jnp.float32),
        "conv_norm_b": jnp.zeros((D,), jnp.float32),
        "conv_w": jax.random.normal(ks[1], (D, D, KS), dtype=jnp.float32) * s,
        "conv_b": jnp.zeros((D,), jnp.float32),
        "attn_norm_g": jnp.ones((D,), jnp.float32),
        "attn_norm_b": jnp.zeros((D,), jnp.float32),
        "in_proj_w": jax.random.normal(ks[2], (3 * D, D), dtype=jnp.float32) * s,
        "in_proj_b": jnp.zeros((3 * D,), jnp.float32),
        "out_proj_w": jax.random.normal(ks[3], (D, D), dtype=jnp.float32) * s,
        "out_proj_b": jnp.zeros((D,), jnp.float32),
        "w1": jax.random.normal(ks[4], (G, E, D, F), dtype=jnp.float32) * s,
        "b1": jnp.zeros((G, E, F), jnp.float32),
        "w2": jax.random.normal(ks[5], (G, E, F, D), dtype=jnp.float32) * s,
        "b2": jnp.zeros((G, E, D), jnp.float32),
        "group_ids": jax.random.randint(ks[6], (B, S), 0, G, dtype=jnp.int32),
    }


def reference(x, conv_norm_g, conv_norm_b, conv_w, conv_b, attn_norm_g, attn_norm_b,
              in_proj_w, in_proj_b, out_proj_w, out_proj_b, w1, b1, w2, b2, group_ids):
    # --- conv block (dropout = identity, deterministic) ---
    residual = x
    h = _layer_norm(x, conv_norm_g, conv_norm_b)
    xc = jnp.transpose(h, (0, 2, 1))  # [B, D, S]
    xc = jax.lax.conv_general_dilated(
        xc, conv_w, window_strides=(1,), padding=[(KS // 2, KS // 2)],
        dimension_numbers=("NCH", "OIH", "NCH"))
    xc = xc + conv_b[None, :, None]
    xc = jnp.transpose(xc, (0, 2, 1))  # [B, S, D]
    xc = jax.nn.gelu(xc, approximate=False)
    x = xc + residual

    # --- self-attention block ---
    residual = x
    h = _layer_norm(x, attn_norm_g, attn_norm_b)
    qkv = h @ in_proj_w.T + in_proj_b  # [B, S, 3D]
    q, k, v = jnp.split(qkv, 3, axis=-1)
    dh = D // H
    def _sh(t):
        return t.reshape(B, S, H, dh).transpose(0, 2, 1, 3)  # [B, H, S, dh]
    q, k, v = _sh(q), _sh(k), _sh(v)
    att = jnp.einsum("bhqd,bhkd->bhqk", q, k) / jnp.sqrt(jnp.float32(dh))
    att = jax.nn.softmax(att, axis=-1)
    o = jnp.einsum("bhqk,bhkd->bhqd", att, v)
    o = o.transpose(0, 2, 1, 3).reshape(B, S, D)
    o = o @ out_proj_w.T + out_proj_b
    x = o + residual

    # --- grouped MoE (mean over experts in assigned group) ---
    residual = x
    x_flat = x.reshape(-1, D)  # [N, D]
    gids = group_ids.reshape(-1)  # [N]
    hmid = jnp.einsum("nd,gedf->ngef", x_flat, w1) + b1[None]
    hmid = jax.nn.gelu(hmid, approximate=False)
    out_all = jnp.einsum("ngef,gefd->nged", hmid, w2) + b2[None]
    group_out = out_all.mean(axis=2)  # [N, G, D] (mean over experts)
    result = jnp.take_along_axis(group_out, gids[:, None, None].astype(jnp.int32), axis=1)[:, 0, :]
    x = result.reshape(B, S, D)
    x = x + residual
    return x

if __name__ == "__main__":
    import jax
    _d = setup_inputs()
    print(jax.jit(kernel)(*tuple(_d.values())))

</pallas_src>

<mosaic_0001>
module attributes {stable_mosaic.version = 14 : i64} {
  func.func @_ln_kernel(%arg0: i32, %arg1: i32, %arg2: memref<1x512x1024xf32, #tpu.memory_space<vmem>>, %arg3: memref<1x1024xf32, #tpu.memory_space<vmem>>, %arg4: memref<1x1024xf32, #tpu.memory_space<vmem>>, %arg5: memref<1x512x1024xbf16, #tpu.memory_space<vmem>>) attributes {dimension_semantics = [#tpu.dimension_semantics<parallel>, #tpu.dimension_semantics<parallel>], iteration_bounds = array<i64: 2, 4>, scalar_prefetch = 0 : i64, scratch_operands = 0 : i64, tpu.core_type = #tpu.core_type<tc>, window_params = [{transform_indices = @transform_0, window_bounds = array<i64: 1, 512, 1024>}, {pipeline_mode = #tpu.pipeline_mode<synchronous>, transform_indices = @transform_1, window_bounds = array<i64: 1, 1024>}, {pipeline_mode = #tpu.pipeline_mode<synchronous>, transform_indices = @transform_2, window_bounds = array<i64: 1, 1024>}, {transform_indices = @transform_3, window_bounds = array<i64: 1, 512, 1024>}]} {
    %get3A = arith.constant 0 : index
    %get3A_0 = arith.constant 0 : index
    %get3A_1 = arith.constant 0 : index
    %get3A_2 = vector.load %arg2[%get3A, %get3A_0, %get3A_1] : memref<1x512x1024xf32, #tpu.memory_space<vmem>>, vector<1x512x1024xf32>
    %get3A_3 = vector.shape_cast %get3A_2 : vector<1x512x1024xf32> to vector<512x1024xf32>
    %get3A_4 = arith.constant 0 : index
    %get3A_5 = arith.constant 0 : index
    %get3A_6 = vector.load %arg3[%get3A_4, %get3A_5] : memref<1x1024xf32, #tpu.memory_space<vmem>>, vector<1x1024xf32>
    %get3A_7 = vector.shape_cast %get3A_6 : vector<1x1024xf32> to vector<1024xf32>
    %get3A_8 = arith.constant 0 : index
    %get3A_9 = arith.constant 0 : index
    %get3A_10 = vector.load %arg4[%get3A_8, %get3A_9] : memref<1x1024xf32, #tpu.memory_space<vmem>>, vector<1x1024xf32>
    %get3A_11 = vector.shape_cast %get3A_10 : vector<1x1024xf32> to vector<1024xf32>
    %reduce_sum3A = arith.constant dense<0.000000e+00> : vector<512xf32>
    %reduce_sum3A_12 = vector.multi_reduction <add>, %get3A_3, %reduce_sum3A [1] : vector<512x1024xf32> to vector<512xf32>
    %broadcast_in_dim3A = vector.shape_cast %reduce_sum3A_12 : vector<512xf32> to vector<512x1xf32>
    %div3A = arith.constant 1.024000e+03 : f32
    %div3A_13 = vector.broadcast %div3A : f32 to vector<512x1xf32>
    %div3A_14 = arith.divf %broadcast_in_dim3A, %div3A_13 : vector<512x1xf32>
    %sub3A = vector.broadcast %div3A_14 : vector<512x1xf32> to vector<512x1024xf32>
    %sub3A_15 = arith.subf %get3A_3, %sub3A : vector<512x1024xf32>
    %integer_pow3A = arith.mulf %sub3A_15, %sub3A_15 : vector<512x1024xf32>
    %reduce_sum3A_16 = arith.constant dense<0.000000e+00> : vector<512xf32>
    %reduce_sum3A_17 = vector.multi_reduction <add>, %integer_pow3A, %reduce_sum3A_16 [1] : vector<512x1024xf32> to vector<512xf32>
    %broadcast_in_dim3A_18 = vector.shape_cast %reduce_sum3A_17 : vector<512xf32> to vector<512x1xf32>
    %div3A_19 = arith.constant 1.024000e+03 : f32
    %div3A_20 = vector.broadcast %div3A_19 : f32 to vector<512x1xf32>
    %div3A_21 = arith.divf %broadcast_in_dim3A_18, %div3A_20 : vector<512x1xf32>
    %sub3A_22 = vector.broadcast %div3A_14 : vector<512x1xf32> to vector<512x1024xf32>
    %sub3A_23 = arith.subf %get3A_3, %sub3A_22 : vector<512x1024xf32>
    %add3A = arith.constant 9.99999974E-6 : f32
    %add3A_24 = vector.broadcast %add3A : f32 to vector<512x1xf32>
    %add3A_25 = arith.addf %div3A_21, %add3A_24 : vector<512x1xf32>
    %rsqrt3A = math.rsqrt %add3A_25 : vector<512x1xf32>
    %mul3A = vector.broadcast %rsqrt3A : vector<512x1xf32> to vector<512x1024xf32>
    %mul3A_26 = arith.mulf %sub3A_23, %mul3A : vector<512x1024xf32>
    %broadcast_in_dim3A_27 = vector.shape_cast %get3A_7 : vector<1024xf32> to vector<1x1024xf32>
    %mul3A_28 = vector.broadcast %broadcast_in_dim3A_27 : vector<1x1024xf32> to vector<512x1024xf32>
    %mul3A_29 = arith.mulf %mul3A_26, %mul3A_28 : vector<512x1024xf32>
    %broadcast_in_dim3A_30 = vector.shape_cast %get3A_11 : vector<1024xf32> to vector<1x1024xf32>
    %add3A_31 = vector.broadcast %broadcast_in_dim3A_30 : vector<1x1024xf32> to vector<512x1024xf32>
    %add3A_32 = arith.addf %mul3A_29, %add3A_31 : vector<512x1024xf32>
    %convert_element_type3A = arith.truncf %add3A_32 : vector<512x1024xf32> to vector<512x1024xbf16>
    %swap3A = arith.constant 0 : index
    %swap3A_33 = arith.constant 0 : index
    %swap3A_34 = arith.constant 0 : index
    %swap3A_35 = vector.load %arg5[%swap3A, %swap3A_33, %swap3A_34] : memref<1x512x1024xbf16, #tpu.memory_space<vmem>>, vector<1x512x1024xbf16>
    %swap3A_36 = vector.shape_cast %swap3A_35 : vector<1x512x1024xbf16> to vector<512x1024xbf16>
    %swap3A_37 = vector.shape_cast %convert_element_type3A : vector<512x1024xbf16> to vector<1x512x1024xbf16>
    tpu.vector_store %arg5[%swap3A, %swap3A_33, %swap3A_34], %swap3A_37 {strides = array<i32>} : memref<1x512x1024xbf16, #tpu.memory_space<vmem>>, vector<1x512x1024xbf16>,
    return
  }
  func.func @transform_0(%arg0: i32, %arg1: i32) -> (i32, i32, i32) {
    %c0_i32 = arith.constant 0 : i32
    %c0_i32_0 = arith.constant 0 : i32
    return %arg0, %arg1, %c0_i32 : i32, i32, i32
  }
  func.func @transform_1(%arg0: i32, %arg1: i32) -> (i32, i32) {
    %c0_i32 = arith.constant 0 : i32
    %c0_i32_0 = arith.constant 0 : i32
    %c0_i32_1 = arith.constant 0 : i32
    return %c0_i32, %c0_i32_0 : i32, i32
  }
  func.func @transform_2(%arg0: i32, %arg1: i32) -> (i32, i32) {
    %c0_i32 = arith.constant 0 : i32
    %c0_i32_0 = arith.constant 0 : i32
    %c0_i32_1 = arith.constant 0 : i32
    return %c0_i32, %c0_i32_0 : i32, i32
  }
  func.func @transform_3(%arg0: i32, %arg1: i32) -> (i32, i32, i32) {
    %c0_i32 = arith.constant 0 : i32
    %c0_i32_0 = arith.constant 0 : i32
    return %arg0, %arg1, %c0_i32 : i32, i32, i32
  }
}

module attributes {stable_mosaic.version = 14 : i64} {
  func.func @_conv_kernel(%arg0: i32, %arg1: i32, %arg2: memref<1x512x1024xbf16, #tpu.memory_space<vmem>>, %arg3: memref<1x512x1024xbf16, #tpu.memory_space<vmem>>, %arg4: memref<1x512x1024xbf16, #tpu.memory_space<vmem>>, %arg5: memref<1x512x1024xbf16, #tpu.memory_space<vmem>>, %arg6: memref<1x512x1024xbf16, #tpu.memory_space<vmem>>, %arg7: memref<5x1024x1024xbf16, #tpu.memory_space<vmem>>, %arg8: memref<1x1024xf32, #tpu.memory_space<vmem>>, %arg9: memref<1x512x1024xf32, #tpu.memory_space<vmem>>, %arg10: memref<1x512x1024xf32, #tpu.memory_space<vmem>>) attributes {dimension_semantics = [#tpu.dimension_semantics<parallel>, #tpu.dimension_semantics<parallel>], iteration_bounds = array<i64: 2, 4>, scalar_prefetch = 0 : i64, scratch_operands = 0 : i64, tpu.core_type = #tpu.core_type<tc>, window_params = [{transform_indices = @transform_0, window_bounds = array<i64: 1, 512, 1024>}, {transform_indices = @transform_1, window_bounds = array<i64: 1, 512, 1024>}, {transform_indices = @transform_2, window_bounds = array<i64: 1, 512, 1024>}, {transform_indices = @transform_3, window_bounds = array<i64: 1, 512, 1024>}, {transform_indices = @transform_4, window_bounds = array<i64: 1, 512, 1024>}, {pipeline_mode = #tpu.pipeline_mode<synchronous>, transform_indices = @transform_5, window_bounds = array<i64: 5, 1024, 1024>}, {pipeline_mode = #tpu.pipeline_mode<synchronous>, transform_indices = @transform_6, window_bounds = array<i64: 1, 1024>}, {transform_indices = @transform_7, window_bounds = array<i64: 1, 512, 1024>}, {transform_indices = @transform_8, window_bounds = array<i64: 1, 512, 1024>}]} {
    %broadcast_in_dim3A = arith.constant 0.000000e+00 : f32
    %broadcast_in_dim3A_0 = vector.broadcast %broadcast_in_dim3A : f32 to vector<512x1024xf32>
    %get3A = arith.constant 0 : index
    %get3A_1 = arith.constant 0 : index
    %get3A_2 = arith.constant 0 : index
    %get3A_3 = vector.load %arg2[%get3A, %get3A_1, %get3A_2] : memref<1x512x1024xbf16, #tpu.memory_space<vmem>>, vector<1x512x1024xbf16>
    %get3A_4 = vector.shape_cast %get3A_3 : vector<1x512x1024xbf16> to vector<512x1024xbf16>
    %get3A_5 = arith.constant 0 : index
    %get3A_6 = arith.constant 0 : index
    %get3A_7 = arith.constant 0 : index
    %get3A_8 = vector.load %arg7[%get3A_5, %get3A_6, %get3A_7] : memref<5x1024x1024xbf16, #tpu.memory_space<vmem>>, vector<1x1024x1024xbf16>
    %get3A_9 = vector.shape_cast %get3A_8 : vector<1x1024x1024xbf16> to vector<1024x1024xbf16>
    %dot_general3A = arith.constant dense<0.000000e+00> : vector<512x1024xf32>
    %dot_general3A_10 = tpu.matmul %get3A_4, %get3A_9, %dot_general3A {dimension_numbers = #tpu.dot_dimension_numbers<[1], [1], [0], [0], [0, 0, 1, 0], [], []>, transpose_lhs_hint = false} : vector<512x1024xbf16>, vector<1024x1024xbf16>, vector<512x1024xf32> -> vector<512x1024xf32>
    %add3A = arith.addf %broadcast_in_dim3A_0, %dot_general3A_10 : vector<512x1024xf32>
    %get3A_11 = arith.constant 0 : index
    %get3A_12 = arith.constant 0 : index
    %get3A_13 = arith.constant 0 : index
    %get3A_14 = vector.load %arg3[%get3A_11, %get3A_12, %get3A_13] : memref<1x512x1024xbf16, #tpu.memory_space<vmem>>, vector<1x512x1024xbf16>
    %get3A_15 = vector.shape_cast %get3A_14 : vector<1x512x1024xbf16> to vector<512x1024xbf16>
    %get3A_16 = arith.constant 1 : index
    %get3A_17 = arith.constant 0 : index
    %get3A_18 = arith.constant 0 : index
    %get3A_19 = vector.load %arg7[%get3A_16, %get3A_17, %get3A_18] : memref<5x1024x1024xbf16, #tpu.memory_space<vmem>>, vector<1x1024x1024xbf16>
    %get3A_20 = vector.shape_cast %get3A_19 : vector<1x1024x1024xbf16> to vector<1024x1024xbf16>
    %dot_general3A_21 = arith.constant dense<0.000000e+00> : vector<512x1024xf32>
    %dot_general3A_22 = tpu.matmul %get3A_15, %get3A_20, %dot_general3A_21 {dimension_numbers = #tpu.dot_dimension_numbers<[1], [1], [0], [0], [0, 0, 1, 0], [], []>, transpose_lhs_hint = false} : vector<512x1024xbf16>, vector<1024x1024xbf16>, vector<512x1024xf32> -> vector<512x1024xf32>
    %add3A_23 = arith.addf %add3A, %dot_general3A_22 : vector<512x1024xf32>
    %get3A_24 = arith.constant 0 : index
    %get3A_25 = arith.constant 0 : index
    %get3A_26 = arith.constant 0 : index
    %get3A_27 = vector.load %arg4[%get3A_24, %get3A_25, %get3A_26] : memref<1x512x1024xbf16, #tpu.memory_space<vmem>>, vector<1x512x1024xbf16>
    %get3A_28 = vector.shape_cast %get3A_27 : vector<1x512x1024xbf16> to vector<512x1024xbf16>
    %get3A_29 = arith.constant 2 : index
    %get3A_30 = arith.constant 0 : index
    %get3A_31 = arith.constant 0 : index
    %get3A_32 = vector.load %arg7[%get3A_29, %get3A_30, %get3A_31] : memref<5x1024x1024xbf16, #tpu.memory_space<vmem>>, vector<1x1024x1024xbf16>
    %get3A_33 = vector.shape_cast %get3A_32 : vector<1x1024x1024xbf16> to vector<1024x1024xbf16>
    %dot_general3A_34 = arith.constant dense<0.000000e+00> : vector<512x1024xf32>
    %dot_general3A_35 = tpu.matmul %get3A_28, %get3A_33, %dot_general3A_34 {dimension_numbers = #tpu.dot_dimension_numbers<[1], [1], [0], [0], [0, 0, 1, 0], [], []>, transpose_lhs_hint = false} : vector<512x1024xbf16>, vector<1024x1024xbf16>, vector<512x1024xf32> -> vector<512x1024xf32>
    %add3A_36 = arith.addf %add3A_23, %dot_general3A_35 : vector<512x1024xf32>
    %get3A_37 = arith.constant 0 : index
    %get3A_38 = arith.constant 0 : index
    %get3A_39 = arith.constant 0 : index
    %get3A_40 = vector.load %arg5[%get3A_37, %get3A_38, %get3A_39] : memref<1x512x1024xbf16, #tpu.memory_space<vmem>>, vector<1x512x1024xbf16>
    %get3A_41 = vector.shape_cast %get3A_40 : vector<1x512x1024xbf16> to vector<512x1024xbf16>
    %get3A_42 = arith.constant 3 : index
    %get3A_43 = arith.constant 0 : index
    %get3A_44 = arith.constant 0 : index
    %get3A_45 = vector.load %arg7[%get3A_42, %get3A_43, %get3A_44] : memref<5x1024x1024xbf16, #tpu.memory_space<vmem>>, vector<1x1024x1024xbf16>
    %get3A_46 = vector.shape_cast %get3A_45 : vector<1x1024x1024xbf16> to vector<1024x1024xbf16>
    %dot_general3A_47 = arith.constant dense<0.000000e+00> : vector<512x1024xf32>
    %dot_general3A_48 = tpu.matmul %get3A_41, %get3A_46, %dot_general3A_47 {dimension_numbers = #tpu.dot_dimension_numbers<[1], [1], [0], [0], [0, 0, 1, 0], [], []>, transpose_lhs_hint = false} : vector<512x1024xbf16>, vector<1024x1024xbf16>, vector<512x1024xf32> -> vector<512x1024xf32>
    %add3A_49 = arith.addf %add3A_36, %dot_general3A_48 : vector<512x1024xf32>
    %get3A_50 = arith.constant 0 : index
    %get3A_51 = arith.constant 0 : index
    %get3A_52 = arith.constant 0 : index
    %get3A_53 = vector.load %arg6[%get3A_50, %get3A_51, %get3A_52] : memref<1x512x1024xbf16, #tpu.memory_space<vmem>>, vector<1x512x1024xbf16>
    %get3A_54 = vector.shape_cast %get3A_53 : vector<1x512x1024xbf16> to vector<512x1024xbf16>
    %get3A_55 = arith.constant 4 : index
    %get3A_56 = arith.constant 0 : index
    %get3A_57 = arith.constant 0 : index
    %get3A_58 = vector.load %arg7[%get3A_55, %get3A_56, %get3A_57] : memref<5x1024x1024xbf16, #tpu.memory_space<vmem>>, vector<1x1024x1024xbf16>
    %get3A_59 = vector.shape_cast %get3A_58 : vector<1x1024x1024xbf16> to vector<1024x1024xbf16>
    %dot_general3A_60 = arith.constant dense<0.000000e+00> : vector<512x1024xf32>
    %dot_general3A_61 = tpu.matmul %get3A_54, %get3A_59, %dot_general3A_60 {dimension_numbers = #tpu.dot_dimension_numbers<[1], [1], [0], [0], [0, 0, 1, 0], [], []>, transpose_lhs_hint = false} : vector<512x1024xbf16>, vector<1024x1024xbf16>, vector<512x1024xf32> -> vector<512x1024xf32>
    %add3A_62 = arith.addf %add3A_49, %dot_general3A_61 : vector<512x1024xf32>
    %get3A_63 = arith.constant 0 : index
    %get3A_64 = arith.constant 0 : index
    %get3A_65 = vector.load %arg8[%get3A_63, %get3A_64] : memref<1x1024xf32, #tpu.memory_space<vmem>>, vector<1x1024xf32>
    %get3A_66 = vector.shape_cast %get3A_65 : vector<1x1024xf32> to vector<1024xf32>
    %broadcast_in_dim3A_67 = vector.shape_cast %get3A_66 : vector<1024xf32> to vector<1x1024xf32>
    %add3A_68 = vector.broadcast %broadcast_in_dim3A_67 : vector<1x1024xf32> to vector<512x1024xf32>
    %add3A_69 = arith.addf %add3A_62, %add3A_68 : vector<512x1024xf32>
    %mul3A = arith.constant 5.000000e-01 : f32
    %mul3A_70 = vector.broadcast %mul3A : f32 to vector<512x1024xf32>
    %mul3A_71 = arith.mulf %mul3A_70, %add3A_69 : vector<512x1024xf32>
    %div3A = arith.constant 1.41421354 : f32
    %div3A_72 = vector.broadcast %div3A : f32 to vector<512x1024xf32>
    %div3A_73 = arith.divf %add3A_69, %div3A_72 : vector<512x1024xf32>
    %erf3A = math.erf %div3A_73 : vector<512x1024xf32>
    %add3A_74 = arith.constant 1.000000e+00 : f32
    %add3A_75 = vector.broadcast %add3A_74 : f32 to vector<512x1024xf32>
    %add3A_76 = arith.addf %add3A_75, %erf3A : vector<512x1024xf32>
    %mul3A_77 = arith.mulf %mul3A_71, %add3A_76 : vector<512x1024xf32>
    %get3A_78 = arith.constant 0 : index
    %get3A_79 = arith.constant 0 : index
    %get3A_80 = arith.constant 0 : index
    %get3A_81 = vector.load %arg9[%get3A_78, %get3A_79, %get3A_80] : memref<1x512x1024xf32, #tpu.memory_space<vmem>>, vector<1x512x1024xf32>
    %get3A_82 = vector.shape_cast %get3A_81 : vector<1x512x1024xf32> to vector<512x1024xf32>
    %add3A_83 = arith.addf %mul3A_77, %get3A_82 : vector<512x1024xf32>
    %swap3A = arith.constant 0 : index
    %swap3A_84 = arith.constant 0 : index
    %swap3A_85 = arith.constant 0 : index
    %swap3A_86 = vector.load %arg10[%swap3A, %swap3A_84, %swap3A_85] : memref<1x512x1024xf32, #tpu.memory_space<vmem>>, vector<1x512x1024xf32>
    %swap3A_87 = vector.shape_cast %swap3A_86 : vector<1x512x1024xf32> to vector<512x1024xf32>
    %swap3A_88 = vector.shape_cast %add3A_83 : vector<512x1024xf32> to vector<1x512x1024xf32>
    tpu.vector_store %arg10[%swap3A, %swap3A_84, %swap3A_85], %swap3A_88 {strides = array<i32>} : memref<1x512x1024xf32, #tpu.memory_space<vmem>>, vector<1x512x1024xf32>,
    return
  }
  func.func @transform_0(%arg0: i32, %arg1: i32) -> (i32, i32, i32) {
    %c0_i32 = arith.constant 0 : i32
    %c0_i32_0 = arith.constant 0 : i32
    return %arg0, %arg1, %c0_i32 : i32, i32, i32
  }
  func.func @transform_1(%arg0: i32, %arg1: i32) -> (i32, i32, i32) {
    %c0_i32 = arith.constant 0 : i32
    %c0_i32_0 = arith.constant 0 : i32
    return %arg0, %arg1, %c0_i32 : i32, i32, i32
  }
  func.func @transform_2(%arg0: i32, %arg1: i32) -> (i32, i32, i32) {
    %c0_i32 = arith.constant 0 : i32
    %c0_i32_0 = arith.constant 0 : i32
    return %arg0, %arg1, %c0_i32 : i32, i32, i32
  }
  func.func @transform_3(%arg0: i32, %arg1: i32) -> (i32, i32, i32) {
    %c0_i32 = arith.constant 0 : i32
    %c0_i32_0 = arith.constant 0 : i32
    return %arg0, %arg1, %c0_i32 : i32, i32, i32
  }
  func.func @transform_4(%arg0: i32, %arg1: i32) -> (i32, i32, i32) {
    %c0_i32 = arith.constant 0 : i32
    %c0_i32_0 = arith.constant 0 : i32
    return %arg0, %arg1, %c0_i32 : i32, i32, i32
  }
  func.func @transform_5(%arg0: i32, %arg1: i32) -> (i32, i32, i32) {
    %c0_i32 = arith.constant 0 : i32
    %c0_i32_0 = arith.constant 0 : i32
    %c0_i32_1 = arith.constant 0 : i32
    %c0_i32_2 = arith.constant 0 : i32
    return %c0_i32, %c0_i32_0, %c0_i32_1 : i32, i32, i32
  }
  func.func @transform_6(%arg0: i32, %arg1: i32) -> (i32, i32) {
    %c0_i32 = arith.constant 0 : i32
    %c0_i32_0 = arith.constant 0 : i32
    %c0_i32_1 = arith.constant 0 : i32
    return %c0_i32, %c0_i32_0 : i32, i32
  }
  func.func @transform_7(%arg0: i32, %arg1: i32) -> (i32, i32, i32) {
    %c0_i32 = arith.constant 0 : i32
    %c0_i32_0 = arith.constant 0 : i32
    return %arg0, %arg1, %c0_i32 : i32, i32, i32
  }
  func.func @transform_8(%arg0: i32, %arg1: i32) -> (i32, i32, i32) {
    %c0_i32 = arith.constant 0 : i32
    %c0_i32_0 = arith.constant 0 : i32
    return %arg0, %arg1, %c0_i32 : i32, i32, i32
  }
}

module attributes {stable_mosaic.version = 14 : i64} {
  func.func @_qkv_kernel(%arg0: i32, %arg1: i32, %arg2: memref<1x512x1024xf32, #tpu.memory_space<vmem>>, %arg3: memref<1x1024xf32, #tpu.memory_space<vmem>>, %arg4: memref<1x1024xf32, #tpu.memory_space<vmem>>, %arg5: memref<1024x1024xbf16, #tpu.memory_space<vmem>>, %arg6: memref<1024x1024xbf16, #tpu.memory_space<vmem>>, %arg7: memref<1024x1024xbf16, #tpu.memory_space<vmem>>, %arg8: memref<1x3072xf32, #tpu.memory_space<vmem>>, %arg9: memref<1x512x1024xbf16, #tpu.memory_space<vmem>>, %arg10: memref<1x512x1024xbf16, #tpu.memory_space<vmem>>, %arg11: memref<1x512x1024xbf16, #tpu.memory_space<vmem>>) attributes {dimension_semantics = [#tpu.dimension_semantics<parallel>, #tpu.dimension_semantics<parallel>], iteration_bounds = array<i64: 2, 4>, scalar_prefetch = 0 : i64, scratch_operands = 0 : i64, tpu.core_type = #tpu.core_type<tc>, window_params = [{transform_indices = @transform_0, window_bounds = array<i64: 1, 512, 1024>}, {pipeline_mode = #tpu.pipeline_mode<synchronous>, transform_indices = @transform_1, window_bounds = array<i64: 1, 1024>}, {pipeline_mode = #tpu.pipeline_mode<synchronous>, transform_indices = @transform_2, window_bounds = array<i64: 1, 1024>}, {pipeline_mode = #tpu.pipeline_mode<synchronous>, transform_indices = @transform_3, window_bounds = array<i64: 1024, 1024>}, {pipeline_mode = #tpu.pipeline_mode<synchronous>, transform_indices = @transform_4, window_bounds = array<i64: 1024, 1024>}, {pipeline_mode = #tpu.pipeline_mode<synchronous>, transform_indices = @transform_5, window_bounds = array<i64: 1024, 1024>}, {pipeline_mode = #tpu.pipeline_mode<synchronous>, transform_indices = @transform_6, window_bounds = array<i64: 1, 3072>}, {transform_indices = @transform_7, window_bounds = array<i64: 1, 512, 1024>}, {transform_indices = @transform_8, window_bounds = array<i64: 1, 512, 1024>}, {transform_indices = @transform_9, window_bounds = array<i64: 1, 512, 1024>}]} {
    %get3A = arith.constant 0 : index
    %get3A_0 = arith.constant 0 : index
    %get3A_1 = arith.constant 0 : index
    %get3A_2 = vector.load %arg2[%get3A, %get3A_0, %get3A_1] : memref<1x512x1024xf32, #tpu.memory_space<vmem>>, vector<1x512x1024xf32>
    %get3A_3 = vector.shape_cast %get3A_2 : vector<1x512x1024xf32> to vector<512x1024xf32>
    %get3A_4 = arith.constant 0 : index
    %get3A_5 = arith.constant 0 : index
    %get3A_6 = vector.load %arg3[%get3A_4, %get3A_5] : memref<1x1024xf32, #tpu.memory_space<vmem>>, vector<1x1024xf32>
    %get3A_7 = vector.shape_cast %get3A_6 : vector<1x1024xf32> to vector<1024xf32>
    %get3A_8 = arith.constant 0 : index
    %get3A_9 = arith.constant 0 : index
    %get3A_10 = vector.load %arg4[%get3A_8, %get3A_9] : memref<1x1024xf32, #tpu.memory_space<vmem>>, vector<1x1024xf32>
    %get3A_11 = vector.shape_cast %get3A_10 : vector<1x1024xf32> to vector<1024xf32>
    %reduce_sum3A = arith.constant dense<0.000000e+00> : vector<512xf32>
    %reduce_sum3A_12 = vector.multi_reduction <add>, %get3A_3, %reduce_sum3A [1] : vector<512x1024xf32> to vector<512xf32>
    %broadcast_in_dim3A = vector.shape_cast %reduce_sum3A_12 : vector<512xf32> to vector<512x1xf32>
    %div3A = arith.constant 1.024000e+03 : f32
    %div3A_13 = vector.broadcast %div3A : f32 to vector<512x1xf32>
    %div3A_14 = arith.divf %broadcast_in_dim3A, %div3A_13 : vector<512x1xf32>
    %sub3A = vector.broadcast %div3A_14 : vector<512x1xf32> to vector<512x1024xf32>
    %sub3A_15 = arith.subf %get3A_3, %sub3A : vector<512x1024xf32>
    %integer_pow3A = arith.mulf %sub3A_15, %sub3A_15 : vector<512x1024xf32>
    %reduce_sum3A_16 = arith.constant dense<0.000000e+00> : vector<512xf32>
    %reduce_sum3A_17 = vector.multi_reduction <add>, %integer_pow3A, %reduce_sum3A_16 [1] : vector<512x1024xf32> to vector<512xf32>
    %broadcast_in_dim3A_18 = vector.shape_cast %reduce_sum3A_17 : vector<512xf32> to vector<512x1xf32>
    %div3A_19 = arith.constant 1.024000e+03 : f32
    %div3A_20 = vector.broadcast %div3A_19 : f32 to vector<512x1xf32>
    %div3A_21 = arith.divf %broadcast_in_dim3A_18, %div3A_20 : vector<512x1xf32>
    %sub3A_22 = vector.broadcast %div3A_14 : vector<512x1xf32> to vector<512x1024xf32>
    %sub3A_23 = arith.subf %get3A_3, %sub3A_22 : vector<512x1024xf32>
    %add3A = arith.constant 9.99999974E-6 : f32
    %add3A_24 = vector.broadcast %add3A : f32 to vector<512x1xf32>
    %add3A_25 = arith.addf %div3A_21, %add3A_24 : vector<512x1xf32>
    %rsqrt3A = math.rsqrt %add3A_25 : vector<512x1xf32>
    %mul3A = vector.broadcast %rsqrt3A : vector<512x1xf32> to vector<512x1024xf32>
    %mul3A_26 = arith.mulf %sub3A_23, %mul3A : vector<512x1024xf32>
    %broadcast_in_dim3A_27 = vector.shape_cast %get3A_7 : vector<1024xf32> to vector<1x1024xf32>
    %mul3A_28 = vector.broadcast %broadcast_in_dim3A_27 : vector<1x1024xf32> to vector<512x1024xf32>
    %mul3A_29 = arith.mulf %mul3A_26, %mul3A_28 : vector<512x1024xf32>
    %broadcast_in_dim3A_30 = vector.shape_cast %get3A_11 : vector<1024xf32> to vector<1x1024xf32>
    %add3A_31 = vector.broadcast %broadcast_in_dim3A_30 : vector<1x1024xf32> to vector<512x1024xf32>
    %add3A_32 = arith.addf %mul3A_29, %add3A_31 : vector<512x1024xf32>
    %convert_element_type3A = arith.truncf %add3A_32 : vector<512x1024xf32> to vector<512x1024xbf16>
    %get3A_33 = arith.constant 0 : index
    %get3A_34 = arith.constant 0 : index
    %get3A_35 = vector.load %arg5[%get3A_33, %get3A_34] : memref<1024x1024xbf16, #tpu.memory_space<vmem>>, vector<1024x1024xbf16>
    %dot_general3A = arith.constant dense<0.000000e+00> : vector<512x1024xf32>
    %dot_general3A_36 = tpu.matmul %convert_element_type3A, %get3A_35, %dot_general3A {dimension_numbers = #tpu.dot_dimension_numbers<[1], [1], [0], [0], [0, 0, 1, 0], [], []>, transpose_lhs_hint = false} : vector<512x1024xbf16>, vector<1024x1024xbf16>, vector<512x1024xf32> -> vector<512x1024xf32>
    %get3A_37 = arith.constant 0 : index
    %get3A_38 = arith.constant 0 : index
    %get3A_39 = vector.load %arg8[%get3A_37, %get3A_38] : memref<1x3072xf32, #tpu.memory_space<vmem>>, vector<1x1024xf32>
    %get3A_40 = vector.shape_cast %get3A_39 : vector<1x1024xf32> to vector<1024xf32>
    %broadcast_in_dim3A_41 = vector.shape_cast %get3A_40 : vector<1024xf32> to vector<1x1024xf32>
    %add3A_42 = vector.broadcast %broadcast_in_dim3A_41 : vector<1x1024xf32> to vector<512x1024xf32>
    %add3A_43 = arith.addf %dot_general3A_36, %add3A_42 : vector<512x1024xf32>
    %convert_element_type3A_44 = arith.truncf %add3A_43 : vector<512x1024xf32> to vector<512x1024xbf16>
    %swap3A = arith.constant 0 : index
    %swap3A_45 = arith.constant 0 : index
    %swap3A_46 = arith.constant 0 : index
    %swap3A_47 = vector.load %arg9[%swap3A, %swap3A_45, %swap3A_46] : memref<1x512x1024xbf16, #tpu.memory_space<vmem>>, vector<1x512x1024xbf16>
    %swap3A_48 = vector.shape_cast %swap3A_47 : vector<1x512x1024xbf16> to vector<512x1024xbf16>
    %swap3A_49 = vector.shape_cast %convert_element_type3A_44 : vector<512x1024xbf16> to vector<1x512x1024xbf16>
    tpu.vector_store %arg9[%swap3A, %swap3A_45, %swap3A_46], %swap3A_49 {strides = array<i32>} : memref<1x512x1024xbf16, #tpu.memory_space<vmem>>, vector<1x512x1024xbf16>,
    %get3A_50 = arith.constant 0 : index
    %get3A_51 = arith.constant 0 : index
    %get3A_52 = vector.load %arg6[%get3A_50, %get3A_51] : memref<1024x1024xbf16, #tpu.memory_space<vmem>>, vector<1024x1024xbf16>
    %dot_general3A_53 = arith.constant dense<0.000000e+00> : vector<512x1024xf32>
    %dot_general3A_54 = tpu.matmul %convert_element_type3A, %get3A_52, %dot_general3A_53 {dimension_numbers = #tpu.dot_dimension_numbers<[1], [1], [0], [0], [0, 0, 1, 0], [], []>, transpose_lhs_hint = false} : vector<512x1024xbf16>, vector<1024x1024xbf16>, vector<512x1024xf32> -> vector<512x1024xf32>
    %get3A_55 = arith.constant 0 : index
    %get3A_56 = arith.constant 1024 : index
    %get3A_57 = vector.load %arg8[%get3A_55, %get3A_56] : memref<1x3072xf32, #tpu.memory_space<vmem>>, vector<1x1024xf32>
    %get3A_58 = vector.shape_cast %get3A_57 : vector<1x1024xf32> to vector<1024xf32>
    %broadcast_in_dim3A_59 = vector.shape_cast %get3A_58 : vector<1024xf32> to vector<1x1024xf32>
    %add3A_60 = vector.broadcast %broadcast_in_dim3A_59 : vector<1x1024xf32> to vector<512x1024xf32>
    %add3A_61 = arith.addf %dot_general3A_54, %add3A_60 : vector<512x1024xf32>
    %convert_element_type3A_62 = arith.truncf %add3A_61 : vector<512x1024xf32> to vector<512x1024xbf16>
    %swap3A_63 = arith.constant 0 : index
    %swap3A_64 = arith.constant 0 : index
    %swap3A_65 = arith.constant 0 : index
    %swap3A_66 = vector.load %arg10[%swap3A_63, %swap3A_64, %swap3A_65] : memref<1x512x1024xbf16, #tpu.memory_space<vmem>>, vector<1x512x1024xbf16>
    %swap3A_67 = vector.shape_cast %swap3A_66 : vector<1x512x1024xbf16> to vector<512x1024xbf16>
    %swap3A_68 = vector.shape_cast %convert_element_type3A_62 : vector<512x1024xbf16> to vector<1x512x1024xbf16>
    tpu.vector_store %arg10[%swap3A_63, %swap3A_64, %swap3A_65], %swap3A_68 {strides = array<i32>} : memref<1x512x1024xbf16, #tpu.memory_space<vmem>>, vector<1x512x1024xbf16>,
    %get3A_69 = arith.constant 0 : index
    %get3A_70 = arith.constant 0 : index
    %get3A_71 = vector.load %arg7[%get3A_69, %get3A_70] : memref<1024x1024xbf16, #tpu.memory_space<vmem>>, vector<1024x1024xbf16>
    %dot_general3A_72 = arith.constant dense<0.000000e+00> : vector<512x1024xf32>
    %dot_general3A_73 = tpu.matmul %convert_element_type3A, %get3A_71, %dot_general3A_72 {dimension_numbers = #tpu.dot_dimension_numbers<[1], [1], [0], [0], [0, 0, 1, 0], [], []>, transpose_lhs_hint = false} : vector<512x1024xbf16>, vector<1024x1024xbf16>, vector<512x1024xf32> -> vector<512x1024xf32>
    %get3A_74 = arith.constant 0 : index
    %get3A_75 = arith.constant 2048 : index
    %get3A_76 = vector.load %arg8[%get3A_74, %get3A_75] : memref<1x3072xf32, #tpu.memory_space<vmem>>, vector<1x1024xf32>
    %get3A_77 = vector.shape_cast %get3A_76 : vector<1x1024xf32> to vector<1024xf32>
    %broadcast_in_dim3A_78 = vector.shape_cast %get3A_77 : vector<1024xf32> to vector<1x1024xf32>
    %add3A_79 = vector.broadcast %broadcast_in_dim3A_78 : vector<1x1024xf32> to vector<512x1024xf32>
    %add3A_80 = arith.addf %dot_general3A_73, %add3A_79 : vector<512x1024xf32>
    %convert_element_type3A_81 = arith.truncf %add3A_80 : vector<512x1024xf32> to vector<512x1024xbf16>
    %swap3A_82 = arith.constant 0 : index
    %swap3A_83 = arith.constant 0 : index
    %swap3A_84 = arith.constant 0 : index
    %swap3A_85 = vector.load %arg11[%swap3A_82, %swap3A_83, %swap3A_84] : memref<1x512x1024xbf16, #tpu.memory_space<vmem>>, vector<1x512x1024xbf16>
    %swap3A_86 = vector.shape_cast %swap3A_85 : vector<1x512x1024xbf16> to vector<512x1024xbf16>
    %swap3A_87 = vector.shape_cast %convert_element_type3A_81 : vector<512x1024xbf16> to vector<1x512x1024xbf16>
    tpu.vector_store %arg11[%swap3A_82, %swap3A_83, %swap3A_84], %swap3A_87 {strides = array<i32>} : memref<1x512x1024xbf16, #tpu.memory_space<vmem>>, vector<1x512x1024xbf16>,
    return
  }
  func.func @transform_0(%arg0: i32, %arg1: i32) -> (i32, i32, i32) {
    %c0_i32 = arith.constant 0 : i32
    %c0_i32_0 = arith.constant 0 : i32
    return %arg0, %arg1, %c0_i32 : i32, i32, i32
  }
  func.func @transform_1(%arg0: i32, %arg1: i32) -> (i32, i32) {
    %c0_i32 = arith.constant 0 : i32
    %c0_i32_0 = arith.constant 0 : i32
    %c0_i32_1 = arith.constant 0 : i32
    return %c0_i32, %c0_i32_0 : i32, i32
  }
  func.func @transform_2(%arg0: i32, %arg1: i32) -> (i32, i32) {
    %c0_i32 = arith.constant 0 : i32
    %c0_i32_0 = arith.constant 0 : i32
    %c0_i32_1 = arith.constant 0 : i32
    return %c0_i32, %c0_i32_0 : i32, i32
  }
  func.func @transform_3(%arg0: i32, %arg1: i32) -> (i32, i32) {
    %c0_i32 = arith.constant 0 : i32
    %c0_i32_0 = arith.constant 0 : i32
    %c0_i32_1 = arith.constant 0 : i32
    return %c0_i32, %c0_i32_0 : i32, i32
  }
  func.func @transform_4(%arg0: i32, %arg1: i32) -> (i32, i32) {
    %c0_i32 = arith.constant 0 : i32
    %c0_i32_0 = arith.constant 0 : i32
    %c0_i32_1 = arith.constant 0 : i32
    return %c0_i32, %c0_i32_0 : i32, i32
  }
  func.func @transform_5(%arg0: i32, %arg1: i32) -> (i32, i32) {
    %c0_i32 = arith.constant 0 : i32
    %c0_i32_0 = arith.constant 0 : i32
    %c0_i32_1 = arith.constant 0 : i32
    return %c0_i32, %c0_i32_0 : i32, i32
  }
  func.func @transform_6(%arg0: i32, %arg1: i32) -> (i32, i32) {
    %c0_i32 = arith.constant 0 : i32
    %c0_i32_0 = arith.constant 0 : i32
    %c0_i32_1 = arith.constant 0 : i32
    return %c0_i32, %c0_i32_0 : i32, i32
  }
  func.func @transform_7(%arg0: i32, %arg1: i32) -> (i32, i32, i32) {
    %c0_i32 = arith.constant 0 : i32
    %c0_i32_0 = arith.constant 0 : i32
    return %arg0, %arg1, %c0_i32 : i32, i32, i32
  }
  func.func @transform_8(%arg0: i32, %arg1: i32) -> (i32, i32, i32) {
    %c0_i32 = arith.constant 0 : i32
    %c0_i32_0 = arith.constant 0 : i32
    return %arg0, %arg1, %c0_i32 : i32, i32, i32
  }
  func.func @transform_9(%arg0: i32, %arg1: i32) -> (i32, i32, i32) {
    %c0_i32 = arith.constant 0 : i32
    %c0_i32_0 = arith.constant 0 : i32
    return %arg0, %arg1, %c0_i32 : i32, i32, i32
  }
}

module attributes {stable_mosaic.version = 14 : i64} {
  func.func @_attn_kernel(%arg0: i32, %arg1: i32, %arg2: memref<1x512x1024xbf16, #tpu.memory_space<vmem>>, %arg3: memref<1x2048x1024xbf16, #tpu.memory_space<vmem>>, %arg4: memref<1x2048x1024xbf16, #tpu.memory_space<vmem>>, %arg5: memref<1x512x1024xbf16, #tpu.memory_space<vmem>>) attributes {dimension_semantics = [#tpu.dimension_semantics<parallel>, #tpu.dimension_semantics<parallel>], iteration_bounds = array<i64: 2, 4>, scalar_prefetch = 0 : i64, scratch_operands = 0 : i64, tpu.core_type = #tpu.core_type<tc>, window_params = [{transform_indices = @transform_0, window_bounds = array<i64: 1, 512, 1024>}, {transform_indices = @transform_1, window_bounds = array<i64: 1, 2048, 1024>}, {transform_indices = @transform_2, window_bounds = array<i64: 1, 2048, 1024>}, {transform_indices = @transform_3, window_bounds = array<i64: 1, 512, 1024>}]} {
    %get3A = arith.constant 0 : index
    %get3A_0 = arith.constant 0 : index
    %get3A_1 = arith.constant 0 : index
    %get3A_2 = vector.load %arg2[%get3A, %get3A_0, %get3A_1] : memref<1x512x1024xbf16, #tpu.memory_space<vmem>>, vector<1x512x1024xbf16>
    %get3A_3 = vector.shape_cast %get3A_2 : vector<1x512x1024xbf16> to vector<512x1024xbf16>
    %slice3A = vector.extract_strided_slice %get3A_3 {offsets = [0, 0], sizes = [512, 64], strides = [1, 1]} : vector<512x1024xbf16> to vector<512x64xbf16>
    %get3A_4 = arith.constant 0 : index
    %get3A_5 = arith.constant 0 : index
    %get3A_6 = arith.constant 0 : index
    %get3A_7 = vector.load %arg3[%get3A_4, %get3A_5, %get3A_6] : memref<1x2048x1024xbf16, #tpu.memory_space<vmem>>, vector<1x2048x1024xbf16>
    %get3A_8 = vector.shape_cast %get3A_7 : vector<1x2048x1024xbf16> to vector<2048x1024xbf16>
    %slice3A_9 = vector.extract_strided_slice %get3A_8 {offsets = [0, 0], sizes = [2048, 64], strides = [1, 1]} : vector<2048x1024xbf16> to vector<2048x64xbf16>
    %dot_general3A = arith.constant dense<0.000000e+00> : vector<512x2048xf32>
    %dot_general3A_10 = tpu.matmul %slice3A, %slice3A_9, %dot_general3A {dimension_numbers = #tpu.dot_dimension_numbers<[1], [1], [0], [0], [0, 0, 1, 0], [], []>, transpose_lhs_hint = false} : vector<512x64xbf16>, vector<2048x64xbf16>, vector<512x2048xf32> -> vector<512x2048xf32>
    %min3A = arith.constant 6.000000e+01 : f32
    %min3A_11 = vector.broadcast %min3A : f32 to vector<512x2048xf32>
    %min3A_12 = arith.minimumf %dot_general3A_10, %min3A_11 : vector<512x2048xf32>
    %exp3A = math.exp %min3A_12 : vector<512x2048xf32>
    %reduce_sum3A = arith.constant dense<0.000000e+00> : vector<512xf32>
    %reduce_sum3A_13 = vector.multi_reduction <add>, %exp3A, %reduce_sum3A [1] : vector<512x2048xf32> to vector<512xf32>
    %broadcast_in_dim3A = vector.shape_cast %reduce_sum3A_13 : vector<512xf32> to vector<512x1xf32>
    %convert_element_type3A = arith.truncf %exp3A : vector<512x2048xf32> to vector<512x2048xbf16>
    %get3A_14 = arith.constant 0 : index
    %get3A_15 = arith.constant 0 : index
    %get3A_16 = arith.constant 0 : index
    %get3A_17 = vector.load %arg4[%get3A_14, %get3A_15, %get3A_16] : memref<1x2048x1024xbf16, #tpu.memory_space<vmem>>, vector<1x2048x1024xbf16>
    %get3A_18 = vector.shape_cast %get3A_17 : vector<1x2048x1024xbf16> to vector<2048x1024xbf16>
    %slice3A_19 = vector.extract_strided_slice %get3A_18 {offsets = [0, 0], sizes = [2048, 64], strides = [1, 1]} : vector<2048x1024xbf16> to vector<2048x64xbf16>
    %dot_general3A_20 = arith.constant dense<0.000000e+00> : vector<512x64xf32>
    %dot_general3A_21 = tpu.matmul %convert_element_type3A, %slice3A_19, %dot_general3A_20 {dimension_numbers = #tpu.dot_dimension_numbers<[1], [0], [0], [1], [0, 0, 1, 1], [], []>, transpose_lhs_hint = false} : vector<512x2048xbf16>, vector<2048x64xbf16>, vector<512x64xf32> -> vector<512x64xf32>
    %div3A = arith.constant 1.000000e+00 : f32
    %div3A_22 = vector.broadcast %div3A : f32 to vector<512x1xf32>
    %div3A_23 = arith.divf %div3A_22, %broadcast_in_dim3A : vector<512x1xf32>
    %mul3A = vector.broadcast %div3A_23 : vector<512x1xf32> to vector<512x64xf32>
    %mul3A_24 = arith.mulf %dot_general3A_21, %mul3A : vector<512x64xf32>
    %slice3A_25 = vector.extract_strided_slice %get3A_3 {offsets = [0, 64], sizes = [512, 64], strides = [1, 1]} : vector<512x1024xbf16> to vector<512x64xbf16>
    %get3A_26 = arith.constant 0 : index
    %get3A_27 = arith.constant 0 : index
    %get3A_28 = arith.constant 0 : index
    %get3A_29 = vector.load %arg3[%get3A_26, %get3A_27, %get3A_28] : memref<1x2048x1024xbf16, #tpu.memory_space<vmem>>, vector<1x2048x1024xbf16>
    %get3A_30 = vector.shape_cast %get3A_29 : vector<1x2048x1024xbf16> to vector<2048x1024xbf16>
    %slice3A_31 = vector.extract_strided_slice %get3A_30 {offsets = [0, 64], sizes = [2048, 64], strides = [1, 1]} : vector<2048x1024xbf16> to vector<2048x64xbf16>
    %dot_general3A_32 = arith.constant dense<0.000000e+00> : vector<512x2048xf32>
    %dot_general3A_33 = tpu.matmul %slice3A_25, %slice3A_31, %dot_general3A_32 {dimension_numbers = #tpu.dot_dimension_numbers<[1], [1], [0], [0], [0, 0, 1, 0], [], []>, transpose_lhs_hint = false} : vector<512x64xbf16>, vector<2048x64xbf16>, vector<512x2048xf32> -> vector<512x2048xf32>
    %min3A_34 = arith.constant 6.000000e+01 : f32
    %min3A_35 = vector.broadcast %min3A_34 : f32 to vector<512x2048xf32>
    %min3A_36 = arith.minimumf %dot_general3A_33, %min3A_35 : vector<512x2048xf32>
    %exp3A_37 = math.exp %min3A_36 : vector<512x2048xf32>
    %reduce_sum3A_38 = arith.constant dense<0.000000e+00> : vector<512xf32>
    %reduce_sum3A_39 = vector.multi_reduction <add>, %exp3A_37, %reduce_sum3A_38 [1] : vector<512x2048xf32> to vector<512xf32>
    %broadcast_in_dim3A_40 = vector.shape_cast %reduce_sum3A_39 : vector<512xf32> to vector<512x1xf32>
    %convert_element_type3A_41 = arith.truncf %exp3A_37 : vector<512x2048xf32> to vector<512x2048xbf16>
    %get3A_42 = arith.constant 0 : index
    %get3A_43 = arith.constant 0 : index
    %get3A_44 = arith.constant 0 : index
    %get3A_45 = vector.load %arg4[%get3A_42, %get3A_43, %get3A_44] : memref<1x2048x1024xbf16, #tpu.memory_space<vmem>>, vector<1x2048x1024xbf16>
    %get3A_46 = vector.shape_cast %get3A_45 : vector<1x2048x1024xbf16> to vector<2048x1024xbf16>
    %slice3A_47 = vector.extract_strided_slice %get3A_46 {offsets = [0, 64], sizes = [2048, 64], strides = [1, 1]} : vector<2048x1024xbf16> to vector<2048x64xbf16>
    %dot_general3A_48 = arith.constant dense<0.000000e+00> : vector<512x64xf32>
    %dot_general3A_49 = tpu.matmul %convert_element_type3A_41, %slice3A_47, %dot_general3A_48 {dimension_numbers = #tpu.dot_dimension_numbers<[1], [0], [0], [1], [0, 0, 1, 1], [], []>, transpose_lhs_hint = false} : vector<512x2048xbf16>, vector<2048x64xbf16>, vector<512x64xf32> -> vector<512x64xf32>
    %div3A_50 = arith.constant 1.000000e+00 : f32
    %div3A_51 = vector.broadcast %div3A_50 : f32 to vector<512x1xf32>
    %div3A_52 = arith.divf %div3A_51, %broadcast_in_dim3A_40 : vector<512x1xf32>
    %mul3A_53 = vector.broadcast %div3A_52 : vector<512x1xf32> to vector<512x64xf32>
    %mul3A_54 = arith.mulf %dot_general3A_49, %mul3A_53 : vector<512x64xf32>
    %slice3A_55 = vector.extract_strided_slice %get3A_3 {offsets = [0, 128], sizes = [512, 64], strides = [1, 1]} : vector<512x1024xbf16> to vector<512x64xbf16>
    %get3A_56 = arith.constant 0 : index
    %get3A_57 = arith.constant 0 : index
    %get3A_58 = arith.constant 0 : index
    %get3A_59 = vector.load %arg3[%get3A_56, %get3A_57, %get3A_58] : memref<1x2048x1024xbf16, #tpu.memory_space<vmem>>, vector<1x2048x1024xbf16>
    %get3A_60 = vector.shape_cast %get3A_59 : vector<1x2048x1024xbf16> to vector<2048x1024xbf16>
    %slice3A_61 = vector.extract_strided_slice %get3A_60 {offsets = [0, 128], sizes = [2048, 64], strides = [1, 1]} : vector<2048x1024xbf16> to vector<2048x64xbf16>
    %dot_general3A_62 = arith.constant dense<0.000000e+00> : vector<512x2048xf32>
    %dot_general3A_63 = tpu.matmul %slice3A_55, %slice3A_61, %dot_general3A_62 {dimension_numbers = #tpu.dot_dimension_numbers<[1], [1], [0], [0], [0, 0, 1, 0], [], []>, transpose_lhs_hint = false} : vector<512x64xbf16>, vector<2048x64xbf16>, vector<512x2048xf32> -> vector<512x2048xf32>
    %min3A_64 = arith.constant 6.000000e+01 : f32
    %min3A_65 = vector.broadcast %min3A_64 : f32 to vector<512x2048xf32>
    %min3A_66 = arith.minimumf %dot_general3A_63, %min3A_65 : vector<512x2048xf32>
    %exp3A_67 = math.exp %min3A_66 : vector<512x2048xf32>
    %reduce_sum3A_68 = arith.constant dense<0.000000e+00> : vector<512xf32>
    %reduce_sum3A_69 = vector.multi_reduction <add>, %exp3A_67, %reduce_sum3A_68 [1] : vector<512x2048xf32> to vector<512xf32>
    %broadcast_in_dim3A_70 = vector.shape_cast %reduce_sum3A_69 : vector<512xf32> to vector<512x1xf32>
    %convert_element_type3A_71 = arith.truncf %exp3A_67 : vector<512x2048xf32> to vector<512x2048xbf16>
    %get3A_72 = arith.constant 0 : index
    %get3A_73 = arith.constant 0 : index
    %get3A_74 = arith.constant 0 : index
    %get3A_75 = vector.load %arg4[%get3A_72, %get3A_73, %get3A_74] : memref<1x2048x1024xbf16, #tpu.memory_space<vmem>>, vector<1x2048x1024xbf16>
    %get3A_76 = vector.shape_cast %get3A_75 : vector<1x2048x1024xbf16> to vector<2048x1024xbf16>
    %slice3A_77 = vector.extract_strided_slice %get3A_76 {offsets = [0, 128], sizes = [2048, 64], strides = [1, 1]} : vector<2048x1024xbf16> to vector<2048x64xbf16>
    %dot_general3A_78 = arith.constant dense<0.000000e+00> : vector<512x64xf32>
    %dot_general3A_79 = tpu.matmul %convert_element_type3A_71, %slice3A_77, %dot_general3A_78 {dimension_numbers = #tpu.dot_dimension_numbers<[1], [0], [0], [1], [0, 0, 1, 1], [], []>, transpose_lhs_hint = false} : vector<512x2048xbf16>, vector<2048x64xbf16>, vector<512x64xf32> -> vector<512x64xf32>
    %div3A_80 = arith.constant 1.000000e+00 : f32
    %div3A_81 = vector.broadcast %div3A_80 : f32 to vector<512x1xf32>
    %div3A_82 = arith.divf %div3A_81, %broadcast_in_dim3A_70 : vector<512x1xf32>
    %mul3A_83 = vector.broadcast %div3A_82 : vector<512x1xf32> to vector<512x64xf32>
    %mul3A_84 = arith.mulf %dot_general3A_79, %mul3A_83 : vector<512x64xf32>
    %slice3A_85 = vector.extract_strided_slice %get3A_3 {offsets = [0, 192], sizes = [512, 64], strides = [1, 1]} : vector<512x1024xbf16> to vector<512x64xbf16>
    %get3A_86 = arith.constant 0 : index
    %get3A_87 = arith.constant 0 : index
    %get3A_88 = arith.constant 0 : index
    %get3A_89 = vector.load %arg3[%get3A_86, %get3A_87, %get3A_88] : memref<1x2048x1024xbf16, #tpu.memory_space<vmem>>, vector<1x2048x1024xbf16>
    %get3A_90 = vector.shape_cast %get3A_89 : vector<1x2048x1024xbf16> to vector<2048x1024xbf16>
    %slice3A_91 = vector.extract_strided_slice %get3A_90 {offsets = [0, 192], sizes = [2048, 64], strides = [1, 1]} : vector<2048x1024xbf16> to vector<2048x64xbf16>
    %dot_general3A_92 = arith.constant dense<0.000000e+00> : vector<512x2048xf32>
    %dot_general3A_93 = tpu.matmul %slice3A_85, %slice3A_91, %dot_general3A_92 {dimension_numbers = #tpu.dot_dimension_numbers<[1], [1], [0], [0], [0, 0, 1, 0], [], []>, transpose_lhs_hint = false} : vector<512x64xbf16>, vector<2048x64xbf16>, vector<512x2048xf32> -> vector<512x2048xf32>
    %min3A_94 = arith.constant 6.000000e+01 : f32
    %min3A_95 = vector.broadcast %min3A_94 : f32 to vector<512x2048xf32>
    %min3A_96 = arith.minimumf %dot_general3A_93, %min3A_95 : vector<512x2048xf32>
    %exp3A_97 = math.exp %min3A_96 : vector<512x2048xf32>
    %reduce_sum3A_98 = arith.constant dense<0.000000e+00> : vector<512xf32>
    %reduce_sum3A_99 = vector.multi_reduction <add>, %exp3A_97, %reduce_sum3A_98 [1] : vector<512x2048xf32> to vector<512xf32>
    %broadcast_in_dim3A_100 = vector.shape_cast %reduce_sum3A_99 : vector<512xf32> to vector<512x1xf32>
    %convert_element_type3A_101 = arith.truncf %exp3A_97 : vector<512x2048xf32> to vector<512x2048xbf16>
    %get3A_102 = arith.constant 0 : index
    %get3A_103 = arith.constant 0 : index
    %get3A_104 = arith.constant 0 : index
    %get3A_105 = vector.load %arg4[%get3A_102, %get3A_103, %get3A_104] : memref<1x2048x1024xbf16, #tpu.memory_space<vmem>>, vector<1x2048x1024xbf16>
    %get3A_106 = vector.shape_cast %get3A_105 : vector<1x2048x1024xbf16> to vector<2048x1024xbf16>
    %slice3A_107 = vector.extract_strided_slice %get3A_106 {offsets = [0, 192], sizes = [2048, 64], strides = [1, 1]} : vector<2048x1024xbf16> to vector<2048x64xbf16>
    %dot_general3A_108 = arith.constant dense<0.000000e+00> : vector<512x64xf32>
    %dot_general3A_109 = tpu.matmul %convert_element_type3A_101, %slice3A_107, %dot_general3A_108 {dimension_numbers = #tpu.dot_dimension_numbers<[1], [0], [0], [1], [0, 0, 1, 1], [], []>, transpose_lhs_hint = false} : vector<512x2048xbf16>, vector<2048x64xbf16>, vector<512x64xf32> -> vector<512x64xf32>
    %div3A_110 = arith.constant 1.000000e+00 : f32
    %div3A_111 = vector.broadcast %div3A_110 : f32 to vector<512x1xf32>
    %div3A_112 = arith.divf %div3A_111, %broadcast_in_dim3A_100 : vector<512x1xf32>
    %mul3A_113 = vector.broadcast %div3A_112 : vector<512x1xf32> to vector<512x64xf32>
    %mul3A_114 = arith.mulf %dot_general3A_109, %mul3A_113 : vector<512x64xf32>
    %slice3A_115 = vector.extract_strided_slice %get3A_3 {offsets = [0, 256], sizes = [512, 64], strides = [1, 1]} : vector<512x1024xbf16> to vector<512x64xbf16>
    %get3A_116 = arith.constant 0 : index
    %get3A_117 = arith.constant 0 : index
    %get3A_118 = arith.constant 0 : index
    %get3A_119 = vector.load %arg3[%get3A_116, %get3A_117, %get3A_118] : memref<1x2048x1024xbf16, #tpu.memory_space<vmem>>, vector<1x2048x1024xbf16>
    %get3A_120 = vector.shape_cast %get3A_119 : vector<1x2048x1024xbf16> to vector<2048x1024xbf16>
    %slice3A_121 = vector.extract_strided_slice %get3A_120 {offsets = [0, 256], sizes = [2048, 64], strides = [1, 1]} : vector<2048x1024xbf16> to vector<2048x64xbf16>
    %dot_general3A_122 = arith.constant dense<0.000000e+00> : vector<512x2048xf32>
    %dot_general3A_123 = tpu.matmul %slice3A_115, %slice3A_121, %dot_general3A_122 {dimension_numbers = #tpu.dot_dimension_numbers<[1], [1], [0], [0], [0, 0, 1, 0], [], []>, transpose_lhs_hint = false} : vector<512x64xbf16>, vector<2048x64xbf16>, vector<512x2048xf32> -> vector<512x2048xf32>
    %min3A_124 = arith.constant 6.000000e+01 : f32
    %min3A_125 = vector.broadcast %min3A_124 : f32 to vector<512x2048xf32>
    %min3A_126 = arith.minimumf %dot_general3A_123, %min3A_125 : vector<512x2048xf32>
    %exp3A_127 = math.exp %min3A_126 : vector<512x2048xf32>
    %reduce_sum3A_128 = arith.constant dense<0.000000e+00> : vector<512xf32>
    %reduce_sum3A_129 = vector.multi_reduction <add>, %exp3A_127, %reduce_sum3A_128 [1] : vector<512x2048xf32> to vector<512xf32>
    %broadcast_in_dim3A_130 = vector.shape_cast %reduce_sum3A_129 : vector<512xf32> to vector<512x1xf32>
    %convert_element_type3A_131 = arith.truncf %exp3A_127 : vector<512x2048xf32> to vector<512x2048xbf16>
    %get3A_132 = arith.constant 0 : index
    %get3A_133 = arith.constant 0 : index
    %get3A_134 = arith.constant 0 : index
    %get3A_135 = vector.load %arg4[%get3A_132, %get3A_133, %get3A_134] : memref<1x2048x1024xbf16, #tpu.memory_space<vmem>>, vector<1x2048x1024xbf16>
    %get3A_136 = vector.shape_cast %get3A_135 : vector<1x2048x1024xbf16> to vector<2048x1024xbf16>
    %slice3A_137 = vector.extract_strided_slice %get3A_136 {offsets = [0, 256], sizes = [2048, 64], strides = [1, 1]} : vector<2048x1024xbf16> to vector<2048x64xbf16>
    %dot_general3A_138 = arith.constant dense<0.000000e+00> : vector<512x64xf32>
    %dot_general3A_139 = tpu.matmul %convert_element_type3A_131, %slice3A_137, %dot_general3A_138 {dimension_numbers = #tpu.dot_dimension_numbers<[1], [0], [0], [1], [0, 0, 1, 1], [], []>, transpose_lhs_hint = false} : vector<512x2048xbf16>, vector<2048x64xbf16>, vector<512x64xf32> -> vector<512x64xf32>
    %div3A_140 = arith.constant 1.000000e+00 : f32
    %div3A_141 = vector.broadcast %div3A_140 : f32 to vector<512x1xf32>
    %div3A_142 = arith.divf %div3A_141, %broadcast_in_dim3A_130 : vector<512x1xf32>
    %mul3A_143 = vector.broadcast %div3A_142 : vector<512x1xf32> to vector<512x64xf32>
    %mul3A_144 = arith.mulf %dot_general3A_139, %mul3A_143 : vector<512x64xf32>
    %slice3A_145 = vector.extract_strided_slice %get3A_3 {offsets = [0, 320], sizes = [512, 64], strides = [1, 1]} : vector<512x1024xbf16> to vector<512x64xbf16>
    %get3A_146 = arith.constant 0 : index
    %get3A_147 = arith.constant 0 : index
    %get3A_148 = arith.constant 0 : index
    %get3A_149 = vector.load %arg3[%get3A_146, %get3A_147, %get3A_148] : memref<1x2048x1024xbf16, #tpu.memory_space<vmem>>, vector<1x2048x1024xbf16>
    %get3A_150 = vector.shape_cast %get3A_149 : vector<1x2048x1024xbf16> to vector<2048x1024xbf16>
    %slice3A_151 = vector.extract_strided_slice %get3A_150 {offsets = [0, 320], sizes = [2048, 64], strides = [1, 1]} : vector<2048x1024xbf16> to vector<2048x64xbf16>
    %dot_general3A_152 = arith.constant dense<0.000000e+00> : vector<512x2048xf32>
    %dot_general3A_153 = tpu.matmul %slice3A_145, %slice3A_151, %dot_general3A_152 {dimension_numbers = #tpu.dot_dimension_numbers<[1], [1], [0], [0], [0, 0, 1, 0], [], []>, transpose_lhs_hint = false} : vector<512x64xbf16>, vector<2048x64xbf16>, vector<512x2048xf32> -> vector<512x2048xf32>
    %min3A_154 = arith.constant 6.000000e+01 : f32
    %min3A_155 = vector.broadcast %min3A_154 : f32 to vector<512x2048xf32>
    %min3A_156 = arith.minimumf %dot_general3A_153, %min3A_155 : vector<512x2048xf32>
    %exp3A_157 = math.exp %min3A_156 : vector<512x2048xf32>
    %reduce_sum3A_158 = arith.constant dense<0.000000e+00> : vector<512xf32>
    %reduce_sum3A_159 = vector.multi_reduction <add>, %exp3A_157, %reduce_sum3A_158 [1] : vector<512x2048xf32> to vector<512xf32>
    %broadcast_in_dim3A_160 = vector.shape_cast %reduce_sum3A_159 : vector<512xf32> to vector<512x1xf32>
    %convert_element_type3A_161 = arith.truncf %exp3A_157 : vector<512x2048xf32> to vector<512x2048xbf16>
    %get3A_162 = arith.constant 0 : index
    %get3A_163 = arith.constant 0 : index
    %get3A_164 = arith.constant 0 : index
    %get3A_165 = vector.load %arg4[%get3A_162, %get3A_163, %get3A_164] : memref<1x2048x1024xbf16, #tpu.memory_space<vmem>>, vector<1x2048x1024xbf16>
    %get3A_166 = vector.shape_cast %get3A_165 : vector<1x2048x1024xbf16> to vector<2048x1024xbf16>
    %slice3A_167 = vector.extract_strided_slice %get3A_166 {offsets = [0, 320], sizes = [2048, 64], strides = [1, 1]} : vector<2048x1024xbf16> to vector<2048x64xbf16>
    %dot_general3A_168 = arith.constant dense<0.000000e+00> : vector<512x64xf32>
    %dot_general3A_169 = tpu.matmul %convert_element_type3A_161, %slice3A_167, %dot_general3A_168 {dimension_numbers = #tpu.dot_dimension_numbers<[1], [0], [0], [1], [0, 0, 1, 1], [], []>, transpose_lhs_hint = false} : vector<512x2048xbf16>, vector<2048x64xbf16>, vector<512x64xf32> -> vector<512x64xf32>
    %div3A_170 = arith.constant 1.000000e+00 : f32
    %div3A_171 = vector.broadcast %div3A_170 : f32 to vector<512x1xf32>
    %div3A_172 = arith.divf %div3A_171, %broadcast_in_dim3A_160 : vector<512x1xf32>
    %mul3A_173 = vector.broadcast %div3A_172 : vector<512x1xf32> to vector<512x64xf32>
    %mul3A_174 = arith.mulf %dot_general3A_169, %mul3A_173 : vector<512x64xf32>
    %slice3A_175 = vector.extract_strided_slice %get3A_3 {offsets = [0, 384], sizes = [512, 64], strides = [1, 1]} : vector<512x1024xbf16> to vector<512x64xbf16>
    %get3A_176 = arith.constant 0 : index
    %get3A_177 = arith.constant 0 : index
    %get3A_178 = arith.constant 0 : index
    %get3A_179 = vector.load %arg3[%get3A_176, %get3A_177, %get3A_178] : memref<1x2048x1024xbf16, #tpu.memory_space<vmem>>, vector<1x2048x1024xbf16>
    %get3A_180 = vector.shape_cast %get3A_179 : vector<1x2048x1024xbf16> to vector<2048x1024xbf16>
    %slice3A_181 = vector.extract_strided_slice %get3A_180 {offsets = [0, 384], sizes = [2048, 64], strides = [1, 1]} : vector<2048x1024xbf16> to vector<2048x64xbf16>
    %dot_general3A_182 = arith.constant dense<0.000000e+00> : vector<512x2048xf32>
    %dot_general3A_183 = tpu.matmul %slice3A_175, %slice3A_181, %dot_general3A_182 {dimension_numbers = #tpu.dot_dimension_numbers<[1], [1], [0], [0], [0, 0, 1, 0], [], []>, transpose_lhs_hint = false} : vector<512x64xbf16>, vector<2048x64xbf16>, vector<512x2048xf32> -> vector<512x2048xf32>
    %min3A_184 = arith.constant 6.000000e+01 : f32
    %min3A_185 = vector.broadcast %min3A_184 : f32 to vector<512x2048xf32>
    %min3A_186 = arith.minimumf %dot_general3A_183, %min3A_185 : vector<512x2048xf32>
    %exp3A_187 = math.exp %min3A_186 : vector<512x2048xf32>
    %reduce_sum3A_188 = arith.constant dense<0.000000e+00> : vector<512xf32>
    %reduce_sum3A_189 = vector.multi_reduction <add>, %exp3A_187, %reduce_sum3A_188 [1] : vector<512x2048xf32> to vector<512xf32>
    %broadcast_in_dim3A_190 = vector.shape_cast %reduce_sum3A_189 : vector<512xf32> to vector<512x1xf32>
    %convert_element_type3A_191 = arith.truncf %exp3A_187 : vector<512x2048xf32> to vector<512x2048xbf16>
    %get3A_192 = arith.constant 0 : index
    %get3A_193 = arith.constant 0 : index
    %get3A_194 = arith.constant 0 : index
    %get3A_195 = vector.load %arg4[%get3A_192, %get3A_193, %get3A_194] : memref<1x2048x1024xbf16, #tpu.memory_space<vmem>>, vector<1x2048x1024xbf16>
    %get3A_196 = vector.shape_cast %get3A_195 : vector<1x2048x1024xbf16> to vector<2048x1024xbf16>
    %slice3A_197 = vector.extract_strided_slice %get3A_196 {offsets = [0, 384], sizes = [2048, 64], strides = [1, 1]} : vector<2048x1024xbf16> to vector<2048x64xbf16>
    %dot_general3A_198 = arith.constant dense<0.000000e+00> : vector<512x64xf32>
    %dot_general3A_199 = tpu.matmul %convert_element_type3A_191, %slice3A_197, %dot_general3A_198 {dimension_numbers = #tpu.dot_dimension_numbers<[1], [0], [0], [1], [0, 0, 1, 1], [], []>, transpose_lhs_hint = false} : vector<512x2048xbf16>, vector<2048x64xbf16>, vector<512x64xf32> -> vector<512x64xf32>
    %div3A_200 = arith.constant 1.000000e+00 : f32
    %div3A_201 = vector.broadcast %div3A_200 : f32 to vector<512x1xf32>
    %div3A_202 = arith.divf %div3A_201, %broadcast_in_dim3A_190 : vector<512x1xf32>
    %mul3A_203 = vector.broadcast %div3A_202 : vector<512x1xf32> to vector<512x64xf32>
    %mul3A_204 = arith.mulf %dot_general3A_199, %mul3A_203 : vector<512x64xf32>
    %slice3A_205 = vector.extract_strided_slice %get3A_3 {offsets = [0, 448], sizes = [512, 64], strides = [1, 1]} : vector<512x1024xbf16> to vector<512x64xbf16>
    %get3A_206 = arith.constant 0 : index
    %get3A_207 = arith.constant 0 : index
    %get3A_208 = arith.constant 0 : index
    %get3A_209 = vector.load %arg3[%get3A_206, %get3A_207, %get3A_208] : memref<1x2048x1024xbf16, #tpu.memory_space<vmem>>, vector<1x2048x1024xbf16>
    %get3A_210 = vector.shape_cast %get3A_209 : vector<1x2048x1024xbf16> to vector<2048x1024xbf16>
    %slice3A_211 = vector.extract_strided_slice %get3A_210 {offsets = [0, 448], sizes = [2048, 64], strides = [1, 1]} : vector<2048x1024xbf16> to vector<2048x64xbf16>
    %dot_general3A_212 = arith.constant dense<0.000000e+00> : vector<512x2048xf32>
    %dot_general3A_213 = tpu.matmul %slice3A_205, %slice3A_211, %dot_general3A_212 {dimension_numbers = #tpu.dot_dimension_numbers<[1], [1], [0], [0], [0, 0, 1, 0], [], []>, transpose_lhs_hint = false} : vector<512x64xbf16>, vector<2048x64xbf16>, vector<512x2048xf32> -> vector<512x2048xf32>
    %min3A_214 = arith.constant 6.000000e+01 : f32
    %min3A_215 = vector.broadcast %min3A_214 : f32 to vector<512x2048xf32>
    %min3A_216 = arith.minimumf %dot_general3A_213, %min3A_215 : vector<512x2048xf32>
    %exp3A_217 = math.exp %min3A_216 : vector<512x2048xf32>
    %reduce_sum3A_218 = arith.constant dense<0.000000e+00> : vector<512xf32>
    %reduce_sum3A_219 = vector.multi_reduction <add>, %exp3A_217, %reduce_sum3A_218 [1] : vector<512x2048xf32> to vector<512xf32>
    %broadcast_in_dim3A_220 = vector.shape_cast %reduce_sum3A_219 : vector<512xf32> to vector<512x1xf32>
    %convert_element_type3A_221 = arith.truncf %exp3A_217 : vector<512x2048xf32> to vector<512x2048xbf16>
    %get3A_222 = arith.constant 0 : index
    %get3A_223 = arith.constant 0 : index
    %get3A_224 = arith.constant 0 : index
    %get3A_225 = vector.load %arg4[%get3A_222, %get3A_223, %get3A_224] : memref<1x2048x1024xbf16, #tpu.memory_space<vmem>>, vector<1x2048x1024xbf16>
    %get3A_226 = vector.shape_cast %get3A_225 : vector<1x2048x1024xbf16> to vector<2048x1024xbf16>
    %slice3A_227 = vector.extract_strided_slice %get3A_226 {offsets = [0, 448], sizes = [2048, 64], strides = [1, 1]} : vector<2048x1024xbf16> to vector<2048x64xbf16>
    %dot_general3A_228 = arith.constant dense<0.000000e+00> : vector<512x64xf32>
    %dot_general3A_229 = tpu.matmul %convert_element_type3A_221, %slice3A_227, %dot_general3A_228 {dimension_numbers = #tpu.dot_dimension_numbers<[1], [0], [0], [1], [0, 0, 1, 1], [], []>, transpose_lhs_hint = false} : vector<512x2048xbf16>, vector<2048x64xbf16>, vector<512x64xf32> -> vector<512x64xf32>
    %div3A_230 = arith.constant 1.000000e+00 : f32
    %div3A_231 = vector.broadcast %div3A_230 : f32 to vector<512x1xf32>
    %div3A_232 = arith.divf %div3A_231, %broadcast_in_dim3A_220 : vector<512x1xf32>
    %mul3A_233 = vector.broadcast %div3A_232 : vector<512x1xf32> to vector<512x64xf32>
    %mul3A_234 = arith.mulf %dot_general3A_229, %mul3A_233 : vector<512x64xf32>
    %slice3A_235 = vector.extract_strided_slice %get3A_3 {offsets = [0, 512], sizes = [512, 64], strides = [1, 1]} : vector<512x1024xbf16> to vector<512x64xbf16>
    %get3A_236 = arith.constant 0 : index
    %get3A_237 = arith.constant 0 : index
    %get3A_238 = arith.constant 0 : index
    %get3A_239 = vector.load %arg3[%get3A_236, %get3A_237, %get3A_238] : memref<1x2048x1024xbf16, #tpu.memory_space<vmem>>, vector<1x2048x1024xbf16>
    %get3A_240 = vector.shape_cast %get3A_239 : vector<1x2048x1024xbf16> to vector<2048x1024xbf16>
    %slice3A_241 = vector.extract_strided_slice %get3A_240 {offsets = [0, 512], sizes = [2048, 64], strides = [1, 1]} : vector<2048x1024xbf16> to vector<2048x64xbf16>
    %dot_general3A_242 = arith.constant dense<0.000000e+00> : vector<512x2048xf32>
    %dot_general3A_243 = tpu.matmul %slice3A_235, %slice3A_241, %dot_general3A_242 {dimension_numbers = #tpu.dot_dimension_numbers<[1], [1], [0], [0], [0, 0, 1, 0], [], []>, transpose_lhs_hint = false} : vector<512x64xbf16>, vector<2048x64xbf16>, vector<512x2048xf32> -> vector<512x2048xf32>
    %min3A_244 = arith.constant 6.000000e+01 : f32
    %min3A_245 = vector.broadcast %min3A_244 : f32 to vector<512x2048xf32>
    %min3A_246 = arith.minimumf %dot_general3A_243, %min3A_245 : vector<512x2048xf32>
    %exp3A_247 = math.exp %min3A_246 : vector<512x2048xf32>
    %reduce_sum3A_248 = arith.constant dense<0.000000e+00> : vector<512xf32>
    %reduce_sum3A_249 = vector.multi_reduction <add>, %exp3A_247, %reduce_sum3A_248 [1] : vector<512x2048xf32> to vector<512xf32>
    %broadcast_in_dim3A_250 = vector.shape_cast %reduce_sum3A_249 : vector<512xf32> to vector<512x1xf32>
    %convert_element_type3A_251 = arith.truncf %exp3A_247 : vector<512x2048xf32> to vector<512x2048xbf16>
    %get3A_252 = arith.constant 0 : index
    %get3A_253 = arith.constant 0 : index
    %get3A_254 = arith.constant 0 : index
    %get3A_255 = vector.load %arg4[%get3A_252, %get3A_253, %get3A_254] : memref<1x2048x1024xbf16, #tpu.memory_space<vmem>>, vector<1x2048x1024xbf16>
    %get3A_256 = vector.shape_cast %get3A_255 : vector<1x2048x1024xbf16> to vector<2048x1024xbf16>
    %slice3A_257 = vector.extract_strided_slice %get3A_256 {offsets = [0, 512], sizes = [2048, 64], strides = [1, 1]} : vector<2048x1024xbf16> to vector<2048x64xbf16>
    %dot_general3A_258 = arith.constant dense<0.000000e+00> : vector<512x64xf32>
    %dot_general3A_259 = tpu.matmul %convert_element_type3A_251, %slice3A_257, %dot_general3A_258 {dimension_numbers = #tpu.dot_dimension_numbers<[1], [0], [0], [1], [0, 0, 1, 1], [], []>, transpose_lhs_hint = false} : vector<512x2048xbf16>, vector<2048x64xbf16>, vector<512x64xf32> -> vector<512x64xf32>
    %div3A_260 = arith.constant 1.000000e+00 : f32
    %div3A_261 = vector.broadcast %div3A_260 : f32 to vector<512x1xf32>
    %div3A_262 = arith.divf %div3A_261, %broadcast_in_dim3A_250 : vector<512x1xf32>
    %mul3A_263 = vector.broadcast %div3A_262 : vector<512x1xf32> to vector<512x64xf32>
    %mul3A_264 = arith.mulf %dot_general3A_259, %mul3A_263 : vector<512x64xf32>
    %slice3A_265 = vector.extract_strided_slice %get3A_3 {offsets = [0, 576], sizes = [512, 64], strides = [1, 1]} : vector<512x1024xbf16> to vector<512x64xbf16>
    %get3A_266 = arith.constant 0 : index
    %get3A_267 = arith.constant 0 : index
    %get3A_268 = arith.constant 0 : index
    %get3A_269 = vector.load %arg3[%get3A_266, %get3A_267, %get3A_268] : memref<1x2048x1024xbf16, #tpu.memory_space<vmem>>, vector<1x2048x1024xbf16>
    %get3A_270 = vector.shape_cast %get3A_269 : vector<1x2048x1024xbf16> to vector<2048x1024xbf16>
    %slice3A_271 = vector.extract_strided_slice %get3A_270 {offsets = [0, 576], sizes = [2048, 64], strides = [1, 1]} : vector<2048x1024xbf16> to vector<2048x64xbf16>
    %dot_general3A_272 = arith.constant dense<0.000000e+00> : vector<512x2048xf32>
    %dot_general3A_273 = tpu.matmul %slice3A_265, %slice3A_271, %dot_general3A_272 {dimension_numbers = #tpu.dot_dimension_numbers<[1], [1], [0], [0], [0, 0, 1, 0], [], []>, transpose_lhs_hint = false} : vector<512x64xbf16>, vector<2048x64xbf16>, vector<512x2048xf32> -> vector<512x2048xf32>
    %min3A_274 = arith.constant 6.000000e+01 : f32
    %min3A_275 = vector.broadcast %min3A_274 : f32 to vector<512x2048xf32>
    %min3A_276 = arith.minimumf %dot_general3A_273, %min3A_275 : vector<512x2048xf32>
    %exp3A_277 = math.exp %min3A_276 : vector<512x2048xf32>
    %reduce_sum3A_278 = arith.constant dense<0.000000e+00> : vector<512xf32>
    %reduce_sum3A_279 = vector.multi_reduction <add>, %exp3A_277, %reduce_sum3A_278 [1] : vector<512x2048xf32> to vector<512xf32>
    %broadcast_in_dim3A_280 = vector.shape_cast %reduce_sum3A_279 : vector<512xf32> to vector<512x1xf32>
    %convert_element_type3A_281 = arith.truncf %exp3A_277 : vector<512x2048xf32> to vector<512x2048xbf16>
    %get3A_282 = arith.constant 0 : index
    %get3A_283 = arith.constant 0 : index
    %get3A_284 = arith.constant 0 : index
    %get3A_285 = vector.load %arg4[%get3A_282, %get3A_283, %get3A_284] : memref<1x2048x1024xbf16, #tpu.memory_space<vmem>>, vector<1x2048x1024xbf16>
    %get3A_286 = vector.shape_cast %get3A_285 : vector<1x2048x1024xbf16> to vector<2048x1024xbf16>
    %slice3A_287 = vector.extract_strided_slice %get3A_286 {offsets = [0, 576], sizes = [2048, 64], strides = [1, 1]} : vector<2048x1024xbf16> to vector<2048x64xbf16>
    %dot_general3A_288 = arith.constant dense<0.000000e+00> : vector<512x64xf32>
    %dot_general3A_289 = tpu.matmul %convert_element_type3A_281, %slice3A_287, %dot_general3A_288 {dimension_numbers = #tpu.dot_dimension_numbers<[1], [0], [0], [1], [0, 0, 1, 1], [], []>, transpose_lhs_hint = false} : vector<512x2048xbf16>, vector<2048x64xbf16>, vector<512x64xf32> -> vector<512x64xf32>
    %div3A_290 = arith.constant 1.000000e+00 : f32
    %div3A_291 = vector.broadcast %div3A_290 : f32 to vector<512x1xf32>
    %div3A_292 = arith.divf %div3A_291, %broadcast_in_dim3A_280 : vector<512x1xf32>
    %mul3A_293 = vector.broadcast %div3A_292 : vector<512x1xf32> to vector<512x64xf32>
    %mul3A_294 = arith.mulf %dot_general3A_289, %mul3A_293 : vector<512x64xf32>
    %slice3A_295 = vector.extract_strided_slice %get3A_3 {offsets = [0, 640], sizes = [512, 64], strides = [1, 1]} : vector<512x1024xbf16> to vector<512x64xbf16>
    %get3A_296 = arith.constant 0 : index
    %get3A_297 = arith.constant 0 : index
    %get3A_298 = arith.constant 0 : index
    %get3A_299 = vector.load %arg3[%get3A_296, %get3A_297, %get3A_298] : memref<1x2048x1024xbf16, #tpu.memory_space<vmem>>, vector<1x2048x1024xbf16>
    %get3A_300 = vector.shape_cast %get3A_299 : vector<1x2048x1024xbf16> to vector<2048x1024xbf16>
    %slice3A_301 = vector.extract_strided_slice %get3A_300 {offsets = [0, 640], sizes = [2048, 64], strides = [1, 1]} : vector<2048x1024xbf16> to vector<2048x64xbf16>
    %dot_general3A_302 = arith.constant dense<0.000000e+00> : vector<512x2048xf32>
    %dot_general3A_303 = tpu.matmul %slice3A_295, %slice3A_301, %dot_general3A_302 {dimension_numbers = #tpu.dot_dimension_numbers<[1], [1], [0], [0], [0, 0, 1, 0], [], []>, transpose_lhs_hint = false} : vector<512x64xbf16>, vector<2048x64xbf16>, vector<512x2048xf32> -> vector<512x2048xf32>
    %min3A_304 = arith.constant 6.000000e+01 : f32
    %min3A_305 = vector.broadcast %min3A_304 : f32 to vector<512x2048xf32>
    %min3A_306 = arith.minimumf %dot_general3A_303, %min3A_305 : vector<512x2048xf32>
    %exp3A_307 = math.exp %min3A_306 : vector<512x2048xf32>
    %reduce_sum3A_308 = arith.constant dense<0.000000e+00> : vector<512xf32>
    %reduce_sum3A_309 = vector.multi_reduction <add>, %exp3A_307, %reduce_sum3A_308 [1] : vector<512x2048xf32> to vector<512xf32>
    %broadcast_in_dim3A_310 = vector.shape_cast %reduce_sum3A_309 : vector<512xf32> to vector<512x1xf32>
    %convert_element_type3A_311 = arith.truncf %exp3A_307 : vector<512x2048xf32> to vector<512x2048xbf16>
    %get3A_312 = arith.constant 0 : index
    %get3A_313 = arith.constant 0 : index
    %get3A_314 = arith.constant 0 : index
    %get3A_315 = vector.load %arg4[%get3A_312, %get3A_313, %get3A_314] : memref<1x2048x1024xbf16, #tpu.memory_space<vmem>>, vector<1x2048x1024xbf16>
    %get3A_316 = vector.shape_cast %get3A_315 : vector<1x2048x1024xbf16> to vector<2048x1024xbf16>
    %slice3A_317 = vector.extract_strided_slice %get3A_316 {offsets = [0, 640], sizes = [2048, 64], strides = [1, 1]} : vector<2048x1024xbf16> to vector<2048x64xbf16>
    %dot_general3A_318 = arith.constant dense<0.000000e+00> : vector<512x64xf32>
    %dot_general3A_319 = tpu.matmul %convert_element_type3A_311, %slice3A_317, %dot_general3A_318 {dimension_numbers = #tpu.dot_dimension_numbers<[1], [0], [0], [1], [0, 0, 1, 1], [], []>, transpose_lhs_hint = false} : vector<512x2048xbf16>, vector<2048x64xbf16>, vector<512x64xf32> -> vector<512x64xf32>
    %div3A_320 = arith.constant 1.000000e+00 : f32
    %div3A_321 = vector.broadcast %div3A_320 : f32 to vector<512x1xf32>
    %div3A_322 = arith.divf %div3A_321, %broadcast_in_dim3A_310 : vector<512x1xf32>
    %mul3A_323 = vector.broadcast %div3A_322 : vector<512x1xf32> to vector<512x64xf32>
    %mul3A_324 = arith.mulf %dot_general3A_319, %mul3A_323 : vector<512x64xf32>
    %slice3A_325 = vector.extract_strided_slice %get3A_3 {offsets = [0, 704], sizes = [512, 64], strides = [1, 1]} : vector<512x1024xbf16> to vector<512x64xbf16>
    %get3A_326 = arith.constant 0 : index
    %get3A_327 = arith.constant 0 : index
    %get3A_328 = arith.constant 0 : index
    %get3A_329 = vector.load %arg3[%get3A_326, %get3A_327, %get3A_328] : memref<1x2048x1024xbf16, #tpu.memory_space<vmem>>, vector<1x2048x1024xbf16>
    %get3A_330 = vector.shape_cast %get3A_329 : vector<1x2048x1024xbf16> to vector<2048x1024xbf16>
    %slice3A_331 = vector.extract_strided_slice %get3A_330 {offsets = [0, 704], sizes = [2048, 64], strides = [1, 1]} : vector<2048x1024xbf16> to vector<2048x64xbf16>
    %dot_general3A_332 = arith.constant dense<0.000000e+00> : vector<512x2048xf32>
    %dot_general3A_333 = tpu.matmul %slice3A_325, %slice3A_331, %dot_general3A_332 {dimension_numbers = #tpu.dot_dimension_numbers<[1], [1], [0], [0], [0, 0, 1, 0], [], []>, transpose_lhs_hint = false} : vector<512x64xbf16>, vector<2048x64xbf16>, vector<512x2048xf32> -> vector<512x2048xf32>
    %min3A_334 = arith.constant 6.000000e+01 : f32
    %min3A_335 = vector.broadcast %min3A_334 : f32 to vector<512x2048xf32>
    %min3A_336 = arith.minimumf %dot_general3A_333, %min3A_335 : vector<512x2048xf32>
    %exp3A_337 = math.exp %min3A_336 : vector<512x2048xf32>
    %reduce_sum3A_338 = arith.constant dense<0.000000e+00> : vector<512xf32>
    %reduce_sum3A_339 = vector.multi_reduction <add>, %exp3A_337, %reduce_sum3A_338 [1] : vector<512x2048xf32> to vector<512xf32>
    %broadcast_in_dim3A_340 = vector.shape_cast %reduce_sum3A_339 : vector<512xf32> to vector<512x1xf32>
    %convert_element_type3A_341 = arith.truncf %exp3A_337 : vector<512x2048xf32> to vector<512x2048xbf16>
    %get3A_342 = arith.constant 0 : index
    %get3A_343 = arith.constant 0 : index
    %get3A_344 = arith.constant 0 : index
    %get3A_345 = vector.load %arg4[%get3A_342, %get3A_343, %get3A_344] : memref<1x2048x1024xbf16, #tpu.memory_space<vmem>>, vector<1x2048x1024xbf16>
    %get3A_346 = vector.shape_cast %get3A_345 : vector<1x2048x1024xbf16> to vector<2048x1024xbf16>
    %slice3A_347 = vector.extract_strided_slice %get3A_346 {offsets = [0, 704], sizes = [2048, 64], strides = [1, 1]} : vector<2048x1024xbf16> to vector<2048x64xbf16>
    %dot_general3A_348 = arith.constant dense<0.000000e+00> : vector<512x64xf32>
    %dot_general3A_349 = tpu.matmul %convert_element_type3A_341, %slice3A_347, %dot_general3A_348 {dimension_numbers = #tpu.dot_dimension_numbers<[1], [0], [0], [1], [0, 0, 1, 1], [], []>, transpose_lhs_hint = false} : vector<512x2048xbf16>, vector<2048x64xbf16>, vector<512x64xf32> -> vector<512x64xf32>
    %div3A_350 = arith.constant 1.000000e+00 : f32
    %div3A_351 = vector.broadcast %div3A_350 : f32 to vector<512x1xf32>
    %div3A_352 = arith.divf %div3A_351, %broadcast_in_dim3A_340 : vector<512x1xf32>
    %mul3A_353 = vector.broadcast %div3A_352 : vector<512x1xf32> to vector<512x64xf32>
    %mul3A_354 = arith.mulf %dot_general3A_349, %mul3A_353 : vector<512x64xf32>
    %slice3A_355 = vector.extract_strided_slice %get3A_3 {offsets = [0, 768], sizes = [512, 64], strides = [1, 1]} : vector<512x1024xbf16> to vector<512x64xbf16>
    %get3A_356 = arith.constant 0 : index
    %get3A_357 = arith.constant 0 : index
    %get3A_358 = arith.constant 0 : index
    %get3A_359 = vector.load %arg3[%get3A_356, %get3A_357, %get3A_358] : memref<1x2048x1024xbf16, #tpu.memory_space<vmem>>, vector<1x2048x1024xbf16>
    %get3A_360 = vector.shape_cast %get3A_359 : vector<1x2048x1024xbf16> to vector<2048x1024xbf16>
    %slice3A_361 = vector.extract_strided_slice %get3A_360 {offsets = [0, 768], sizes = [2048, 64], strides = [1, 1]} : vector<2048x1024xbf16> to vector<2048x64xbf16>
    %dot_general3A_362 = arith.constant dense<0.000000e+00> : vector<512x2048xf32>
    %dot_general3A_363 = tpu.matmul %slice3A_355, %slice3A_361, %dot_general3A_362 {dimension_numbers = #tpu.dot_dimension_numbers<[1], [1], [0], [0], [0, 0, 1, 0], [], []>, transpose_lhs_hint = false} : vector<512x64xbf16>, vector<2048x64xbf16>, vector<512x2048xf32> -> vector<512x2048xf32>
    %min3A_364 = arith.constant 6.000000e+01 : f32
    %min3A_365 = vector.broadcast %min3A_364 : f32 to vector<512x2048xf32>
    %min3A_366 = arith.minimumf %dot_general3A_363, %min3A_365 : vector<512x2048xf32>
    %exp3A_367 = math.exp %min3A_366 : vector<512x2048xf32>
    %reduce_sum3A_368 = arith.constant dense<0.000000e+00> : vector<512xf32>
    %reduce_sum3A_369 = vector.multi_reduction <add>, %exp3A_367, %reduce_sum3A_368 [1] : vector<512x2048xf32> to vector<512xf32>
    %broadcast_in_dim3A_370 = vector.shape_cast %reduce_sum3A_369 : vector<512xf32> to vector<512x1xf32>
    %convert_element_type3A_371 = arith.truncf %exp3A_367 : vector<512x2048xf32> to vector<512x2048xbf16>
    %get3A_372 = arith.constant 0 : index
    %get3A_373 = arith.constant 0 : index
    %get3A_374 = arith.constant 0 : index
    %get3A_375 = vector.load %arg4[%get3A_372, %get3A_373, %get3A_374] : memref<1x2048x1024xbf16, #tpu.memory_space<vmem>>, vector<1x2048x1024xbf16>
    %get3A_376 = vector.shape_cast %get3A_375 : vector<1x2048x1024xbf16> to vector<2048x1024xbf16>
    %slice3A_377 = vector.extract_strided_slice %get3A_376 {offsets = [0, 768], sizes = [2048, 64], strides = [1, 1]} : vector<2048x1024xbf16> to vector<2048x64xbf16>
    %dot_general3A_378 = arith.constant dense<0.000000e+00> : vector<512x64xf32>
    %dot_general3A_379 = tpu.matmul %convert_element_type3A_371, %slice3A_377, %dot_general3A_378 {dimension_numbers = #tpu.dot_dimension_numbers<[1], [0], [0], [1], [0, 0, 1, 1], [], []>, transpose_lhs_hint = false} : vector<512x2048xbf16>, vector<2048x64xbf16>, vector<512x64xf32> -> vector<512x64xf32>
    %div3A_380 = arith.constant 1.000000e+00 : f32
    %div3A_381 = vector.broadcast %div3A_380 : f32 to vector<512x1xf32>
    %div3A_382 = arith.divf %div3A_381, %broadcast_in_dim3A_370 : vector<512x1xf32>
    %mul3A_383 = vector.broadcast %div3A_382 : vector<512x1xf32> to vector<512x64xf32>
    %mul3A_384 = arith.mulf %dot_general3A_379, %mul3A_383 : vector<512x64xf32>
    %slice3A_385 = vector.extract_strided_slice %get3A_3 {offsets = [0, 832], sizes = [512, 64], strides = [1, 1]} : vector<512x1024xbf16> to vector<512x64xbf16>
    %get3A_386 = arith.constant 0 : index
    %get3A_387 = arith.constant 0 : index
    %get3A_388 = arith.constant 0 : index
    %get3A_389 = vector.load %arg3[%get3A_386, %get3A_387, %get3A_388] : memref<1x2048x1024xbf16, #tpu.memory_space<vmem>>, vector<1x2048x1024xbf16>
    %get3A_390 = vector.shape_cast %get3A_389 : vector<1x2048x1024xbf16> to vector<2048x1024xbf16>
    %slice3A_391 = vector.extract_strided_slice %get3A_390 {offsets = [0, 832], sizes = [2048, 64], strides = [1, 1]} : vector<2048x1024xbf16> to vector<2048x64xbf16>
    %dot_general3A_392 = arith.constant dense<0.000000e+00> : vector<512x2048xf32>
    %dot_general3A_393 = tpu.matmul %slice3A_385, %slice3A_391, %dot_general3A_392 {dimension_numbers = #tpu.dot_dimension_numbers<[1], [1], [0], [0], [0, 0, 1, 0], [], []>, transpose_lhs_hint = false} : vector<512x64xbf16>, vector<2048x64xbf16>, vector<512x2048xf32> -> vector<512x2048xf32>
    %min3A_394 = arith.constant 6.000000e+01 : f32
    %min3A_395 = vector.broadcast %min3A_394 : f32 to vector<512x2048xf32>
    %min3A_396 = arith.minimumf %dot_general3A_393, %min3A_395 : vector<512x2048xf32>
    %exp3A_397 = math.exp %min3A_396 : vector<512x2048xf32>
    %reduce_sum3A_398 = arith.constant dense<0.000000e+00> : vector<512xf32>
    %reduce_sum3A_399 = vector.multi_reduction <add>, %exp3A_397, %reduce_sum3A_398 [1] : vector<512x2048xf32> to vector<512xf32>
    %broadcast_in_dim3A_400 = vector.shape_cast %reduce_sum3A_399 : vector<512xf32> to vector<512x1xf32>
    %convert_element_type3A_401 = arith.truncf %exp3A_397 : vector<512x2048xf32> to vector<512x2048xbf16>
    %get3A_402 = arith.constant 0 : index
    %get3A_403 = arith.constant 0 : index
    %get3A_404 = arith.constant 0 : index
    %get3A_405 = vector.load %arg4[%get3A_402, %get3A_403, %get3A_404] : memref<1x2048x1024xbf16, #tpu.memory_space<vmem>>, vector<1x2048x1024xbf16>
    %get3A_406 = vector.shape_cast %get3A_405 : vector<1x2048x1024xbf16> to vector<2048x1024xbf16>
    %slice3A_407 = vector.extract_strided_slice %get3A_406 {offsets = [0, 832], sizes = [2048, 64], strides = [1, 1]} : vector<2048x1024xbf16> to vector<2048x64xbf16>
    %dot_general3A_408 = arith.constant dense<0.000000e+00> : vector<512x64xf32>
    %dot_general3A_409 = tpu.matmul %convert_element_type3A_401, %slice3A_407, %dot_general3A_408 {dimension_numbers = #tpu.dot_dimension_numbers<[1], [0], [0], [1], [0, 0, 1, 1], [], []>, transpose_lhs_hint = false} : vector<512x2048xbf16>, vector<2048x64xbf16>, vector<512x64xf32> -> vector<512x64xf32>
    %div3A_410 = arith.constant 1.000000e+00 : f32
    %div3A_411 = vector.broadcast %div3A_410 : f32 to vector<512x1xf32>
    %div3A_412 = arith.divf %div3A_411, %broadcast_in_dim3A_400 : vector<512x1xf32>
    %mul3A_413 = vector.broadcast %div3A_412 : vector<512x1xf32> to vector<512x64xf32>
    %mul3A_414 = arith.mulf %dot_general3A_409, %mul3A_413 : vector<512x64xf32>
    %slice3A_415 = vector.extract_strided_slice %get3A_3 {offsets = [0, 896], sizes = [512, 64], strides = [1, 1]} : vector<512x1024xbf16> to vector<512x64xbf16>
    %get3A_416 = arith.constant 0 : index
    %get3A_417 = arith.constant 0 : index
    %get3A_418 = arith.constant 0 : index
    %get3A_419 = vector.load %arg3[%get3A_416, %get3A_417, %get3A_418] : memref<1x2048x1024xbf16, #tpu.memory_space<vmem>>, vector<1x2048x1024xbf16>
    %get3A_420 = vector.shape_cast %get3A_419 : vector<1x2048x1024xbf16> to vector<2048x1024xbf16>
    %slice3A_421 = vector.extract_strided_slice %get3A_420 {offsets = [0, 896], sizes = [2048, 64], strides = [1, 1]} : vector<2048x1024xbf16> to vector<2048x64xbf16>
    %dot_general3A_422 = arith.constant dense<0.000000e+00> : vector<512x2048xf32>
    %dot_general3A_423 = tpu.matmul %slice3A_415, %slice3A_421, %dot_general3A_422 {dimension_numbers = #tpu.dot_dimension_numbers<[1], [1], [0], [0], [0, 0, 1, 0], [], []>, transpose_lhs_hint = false} : vector<512x64xbf16>, vector<2048x64xbf16>, vector<512x2048xf32> -> vector<512x2048xf32>
    %min3A_424 = arith.constant 6.000000e+01 : f32
    %min3A_425 = vector.broadcast %min3A_424 : f32 to vector<512x2048xf32>
    %min3A_426 = arith.minimumf %dot_general3A_423, %min3A_425 : vector<512x2048xf32>
    %exp3A_427 = math.exp %min3A_426 : vector<512x2048xf32>
    %reduce_sum3A_428 = arith.constant dense<0.000000e+00> : vector<512xf32>
    %reduce_sum3A_429 = vector.multi_reduction <add>, %exp3A_427, %reduce_sum3A_428 [1] : vector<512x2048xf32> to vector<512xf32>
    %broadcast_in_dim3A_430 = vector.shape_cast %reduce_sum3A_429 : vector<512xf32> to vector<512x1xf32>
    %convert_element_type3A_431 = arith.truncf %exp3A_427 : vector<512x2048xf32> to vector<512x2048xbf16>
    %get3A_432 = arith.constant 0 : index
    %get3A_433 = arith.constant 0 : index
    %get3A_434 = arith.constant 0 : index
    %get3A_435 = vector.load %arg4[%get3A_432, %get3A_433, %get3A_434] : memref<1x2048x1024xbf16, #tpu.memory_space<vmem>>, vector<1x2048x1024xbf16>
    %get3A_436 = vector.shape_cast %get3A_435 : vector<1x2048x1024xbf16> to vector<2048x1024xbf16>
    %slice3A_437 = vector.extract_strided_slice %get3A_436 {offsets = [0, 896], sizes = [2048, 64], strides = [1, 1]} : vector<2048x1024xbf16> to vector<2048x64xbf16>
    %dot_general3A_438 = arith.constant dense<0.000000e+00> : vector<512x64xf32>
    %dot_general3A_439 = tpu.matmul %convert_element_type3A_431, %slice3A_437, %dot_general3A_438 {dimension_numbers = #tpu.dot_dimension_numbers<[1], [0], [0], [1], [0, 0, 1, 1], [], []>, transpose_lhs_hint = false} : vector<512x2048xbf16>, vector<2048x64xbf16>, vector<512x64xf32> -> vector<512x64xf32>
    %div3A_440 = arith.constant 1.000000e+00 : f32
    %div3A_441 = vector.broadcast %div3A_440 : f32 to vector<512x1xf32>
    %div3A_442 = arith.divf %div3A_441, %broadcast_in_dim3A_430 : vector<512x1xf32>
    %mul3A_443 = vector.broadcast %div3A_442 : vector<512x1xf32> to vector<512x64xf32>
    %mul3A_444 = arith.mulf %dot_general3A_439, %mul3A_443 : vector<512x64xf32>
    %slice3A_445 = vector.extract_strided_slice %get3A_3 {offsets = [0, 960], sizes = [512, 64], strides = [1, 1]} : vector<512x1024xbf16> to vector<512x64xbf16>
    %get3A_446 = arith.constant 0 : index
    %get3A_447 = arith.constant 0 : index
    %get3A_448 = arith.constant 0 : index
    %get3A_449 = vector.load %arg3[%get3A_446, %get3A_447, %get3A_448] : memref<1x2048x1024xbf16, #tpu.memory_space<vmem>>, vector<1x2048x1024xbf16>
    %get3A_450 = vector.shape_cast %get3A_449 : vector<1x2048x1024xbf16> to vector<2048x1024xbf16>
    %slice3A_451 = vector.extract_strided_slice %get3A_450 {offsets = [0, 960], sizes = [2048, 64], strides = [1, 1]} : vector<2048x1024xbf16> to vector<2048x64xbf16>
    %dot_general3A_452 = arith.constant dense<0.000000e+00> : vector<512x2048xf32>
    %dot_general3A_453 = tpu.matmul %slice3A_445, %slice3A_451, %dot_general3A_452 {dimension_numbers = #tpu.dot_dimension_numbers<[1], [1], [0], [0], [0, 0, 1, 0], [], []>, transpose_lhs_hint = false} : vector<512x64xbf16>, vector<2048x64xbf16>, vector<512x2048xf32> -> vector<512x2048xf32>
    %min3A_454 = arith.constant 6.000000e+01 : f32
    %min3A_455 = vector.broadcast %min3A_454 : f32 to vector<512x2048xf32>
    %min3A_456 = arith.minimumf %dot_general3A_453, %min3A_455 : vector<512x2048xf32>
    %exp3A_457 = math.exp %min3A_456 : vector<512x2048xf32>
    %reduce_sum3A_458 = arith.constant dense<0.000000e+00> : vector<512xf32>
    %reduce_sum3A_459 = vector.multi_reduction <add>, %exp3A_457, %reduce_sum3A_458 [1] : vector<512x2048xf32> to vector<512xf32>
    %broadcast_in_dim3A_460 = vector.shape_cast %reduce_sum3A_459 : vector<512xf32> to vector<512x1xf32>
    %convert_element_type3A_461 = arith.truncf %exp3A_457 : vector<512x2048xf32> to vector<512x2048xbf16>
    %get3A_462 = arith.constant 0 : index
    %get3A_463 = arith.constant 0 : index
    %get3A_464 = arith.constant 0 : index
    %get3A_465 = vector.load %arg4[%get3A_462, %get3A_463, %get3A_464] : memref<1x2048x1024xbf16, #tpu.memory_space<vmem>>, vector<1x2048x1024xbf16>
    %get3A_466 = vector.shape_cast %get3A_465 : vector<1x2048x1024xbf16> to vector<2048x1024xbf16>
    %slice3A_467 = vector.extract_strided_slice %get3A_466 {offsets = [0, 960], sizes = [2048, 64], strides = [1, 1]} : vector<2048x1024xbf16> to vector<2048x64xbf16>
    %dot_general3A_468 = arith.constant dense<0.000000e+00> : vector<512x64xf32>
    %dot_general3A_469 = tpu.matmul %convert_element_type3A_461, %slice3A_467, %dot_general3A_468 {dimension_numbers = #tpu.dot_dimension_numbers<[1], [0], [0], [1], [0, 0, 1, 1], [], []>, transpose_lhs_hint = false} : vector<512x2048xbf16>, vector<2048x64xbf16>, vector<512x64xf32> -> vector<512x64xf32>
    %div3A_470 = arith.constant 1.000000e+00 : f32
    %div3A_471 = vector.broadcast %div3A_470 : f32 to vector<512x1xf32>
    %div3A_472 = arith.divf %div3A_471, %broadcast_in_dim3A_460 : vector<512x1xf32>
    %mul3A_473 = vector.broadcast %div3A_472 : vector<512x1xf32> to vector<512x64xf32>
    %mul3A_474 = arith.mulf %dot_general3A_469, %mul3A_473 : vector<512x64xf32>
    %concatenate3A = tpu.concatenate %mul3A_24, %mul3A_54, %mul3A_84, %mul3A_114, %mul3A_144, %mul3A_174, %mul3A_204, %mul3A_234, %mul3A_264, %mul3A_294, %mul3A_324, %mul3A_354, %mul3A_384, %mul3A_414, %mul3A_444, %mul3A_474 in 1 : vector<512x64xf32>, vector<512x64xf32>, vector<512x64xf32>, vector<512x64xf32>, vector<512x64xf32>, vector<512x64xf32>, vector<512x64xf32>, vector<512x64xf32>, vector<512x64xf32>, vector<512x64xf32>, vector<512x64xf32>, vector<512x64xf32>, vector<512x64xf32>, vector<512x64xf32>, vector<512x64xf32>, vector<512x64xf32> -> vector<512x1024xf32>
    %convert_element_type3A_475 = arith.truncf %concatenate3A : vector<512x1024xf32> to vector<512x1024xbf16>
    %swap3A = arith.constant 0 : index
    %swap3A_476 = arith.constant 0 : index
    %swap3A_477 = arith.constant 0 : index
    %swap3A_478 = vector.load %arg5[%swap3A, %swap3A_476, %swap3A_477] : memref<1x512x1024xbf16, #tpu.memory_space<vmem>>, vector<1x512x1024xbf16>
    %swap3A_479 = vector.shape_cast %swap3A_478 : vector<1x512x1024xbf16> to vector<512x1024xbf16>
    %swap3A_480 = vector.shape_cast %convert_element_type3A_475 : vector<512x1024xbf16> to vector<1x512x1024xbf16>
    tpu.vector_store %arg5[%swap3A, %swap3A_476, %swap3A_477], %swap3A_480 {strides = array<i32>} : memref<1x512x1024xbf16, #tpu.memory_space<vmem>>, vector<1x512x1024xbf16>,
    return
  }
  func.func @transform_0(%arg0: i32, %arg1: i32) -> (i32, i32, i32) {
    %c0_i32 = arith.constant 0 : i32
    %c0_i32_0 = arith.constant 0 : i32
    return %arg0, %arg1, %c0_i32 : i32, i32, i32
  }
  func.func @transform_1(%arg0: i32, %arg1: i32) -> (i32, i32, i32) {
    %c0_i32 = arith.constant 0 : i32
    %c0_i32_0 = arith.constant 0 : i32
    %c0_i32_1 = arith.constant 0 : i32
    return %arg0, %c0_i32, %c0_i32_0 : i32, i32, i32
  }
  func.func @transform_2(%arg0: i32, %arg1: i32) -> (i32, i32, i32) {
    %c0_i32 = arith.constant 0 : i32
    %c0_i32_0 = arith.constant 0 : i32
    %c0_i32_1 = arith.constant 0 : i32
    return %arg0, %c0_i32, %c0_i32_0 : i32, i32, i32
  }
  func.func @transform_3(%arg0: i32, %arg1: i32) -> (i32, i32, i32) {
    %c0_i32 = arith.constant 0 : i32
    %c0_i32_0 = arith.constant 0 : i32
    return %arg0, %arg1, %c0_i32 : i32, i32, i32
  }
}

module attributes {stable_mosaic.version = 14 : i64} {
  func.func @_proj_kernel(%arg0: i32, %arg1: i32, %arg2: memref<1x512x1024xbf16, #tpu.memory_space<vmem>>, %arg3: memref<1024x1024xbf16, #tpu.memory_space<vmem>>, %arg4: memref<1x1024xf32, #tpu.memory_space<vmem>>, %arg5: memref<1x512x1024xf32, #tpu.memory_space<vmem>>, %arg6: memref<1x512x1024xf32, #tpu.memory_space<vmem>>) attributes {dimension_semantics = [#tpu.dimension_semantics<parallel>, #tpu.dimension_semantics<parallel>], iteration_bounds = array<i64: 2, 4>, scalar_prefetch = 0 : i64, scratch_operands = 0 : i64, tpu.core_type = #tpu.core_type<tc>, window_params = [{transform_indices = @transform_0, window_bounds = array<i64: 1, 512, 1024>}, {pipeline_mode = #tpu.pipeline_mode<synchronous>, transform_indices = @transform_1, window_bounds = array<i64: 1024, 1024>}, {pipeline_mode = #tpu.pipeline_mode<synchronous>, transform_indices = @transform_2, window_bounds = array<i64: 1, 1024>}, {transform_indices = @transform_3, window_bounds = array<i64: 1, 512, 1024>}, {transform_indices = @transform_4, window_bounds = array<i64: 1, 512, 1024>}]} {
    %get3A = arith.constant 0 : index
    %get3A_0 = arith.constant 0 : index
    %get3A_1 = arith.constant 0 : index
    %get3A_2 = vector.load %arg2[%get3A, %get3A_0, %get3A_1] : memref<1x512x1024xbf16, #tpu.memory_space<vmem>>, vector<1x512x1024xbf16>
    %get3A_3 = vector.shape_cast %get3A_2 : vector<1x512x1024xbf16> to vector<512x1024xbf16>
    %get3A_4 = arith.constant 0 : index
    %get3A_5 = arith.constant 0 : index
    %get3A_6 = vector.load %arg3[%get3A_4, %get3A_5] : memref<1024x1024xbf16, #tpu.memory_space<vmem>>, vector<1024x1024xbf16>
    %dot_general3A = arith.constant dense<0.000000e+00> : vector<512x1024xf32>
    %dot_general3A_7 = tpu.matmul %get3A_3, %get3A_6, %dot_general3A {dimension_numbers = #tpu.dot_dimension_numbers<[1], [1], [0], [0], [0, 0, 1, 0], [], []>, transpose_lhs_hint = false} : vector<512x1024xbf16>, vector<1024x1024xbf16>, vector<512x1024xf32> -> vector<512x1024xf32>
    %get3A_8 = arith.constant 0 : index
    %get3A_9 = arith.constant 0 : index
    %get3A_10 = vector.load %arg4[%get3A_8, %get3A_9] : memref<1x1024xf32, #tpu.memory_space<vmem>>, vector<1x1024xf32>
    %get3A_11 = vector.shape_cast %get3A_10 : vector<1x1024xf32> to vector<1024xf32>
    %broadcast_in_dim3A = vector.shape_cast %get3A_11 : vector<1024xf32> to vector<1x1024xf32>
    %add3A = vector.broadcast %broadcast_in_dim3A : vector<1x1024xf32> to vector<512x1024xf32>
    %add3A_12 = arith.addf %dot_general3A_7, %add3A : vector<512x1024xf32>
    %get3A_13 = arith.constant 0 : index
    %get3A_14 = arith.constant 0 : index
    %get3A_15 = arith.constant 0 : index
    %get3A_16 = vector.load %arg5[%get3A_13, %get3A_14, %get3A_15] : memref<1x512x1024xf32, #tpu.memory_space<vmem>>, vector<1x512x1024xf32>
    %get3A_17 = vector.shape_cast %get3A_16 : vector<1x512x1024xf32> to vector<512x1024xf32>
    %add3A_18 = arith.addf %add3A_12, %get3A_17 : vector<512x1024xf32>
    %swap3A = arith.constant 0 : index
    %swap3A_19 = arith.constant 0 : index
    %swap3A_20 = arith.constant 0 : index
    %swap3A_21 = vector.load %arg6[%swap3A, %swap3A_19, %swap3A_20] : memref<1x512x1024xf32, #tpu.memory_space<vmem>>, vector<1x512x1024xf32>
    %swap3A_22 = vector.shape_cast %swap3A_21 : vector<1x512x1024xf32> to vector<512x1024xf32>
    %swap3A_23 = vector.shape_cast %add3A_18 : vector<512x1024xf32> to vector<1x512x1024xf32>
    tpu.vector_store %arg6[%swap3A, %swap3A_19, %swap3A_20], %swap3A_23 {strides = array<i32>} : memref<1x512x1024xf32, #tpu.memory_space<vmem>>, vector<1x512x1024xf32>,
    return
  }
  func.func @transform_0(%arg0: i32, %arg1: i32) -> (i32, i32, i32) {
    %c0_i32 = arith.constant 0 : i32
    %c0_i32_0 = arith.constant 0 : i32
    return %arg0, %arg1, %c0_i32 : i32, i32, i32
  }
  func.func @transform_1(%arg0: i32, %arg1: i32) -> (i32, i32) {
    %c0_i32 = arith.constant 0 : i32
    %c0_i32_0 = arith.constant 0 : i32
    %c0_i32_1 = arith.constant 0 : i32
    return %c0_i32, %c0_i32_0 : i32, i32
  }
  func.func @transform_2(%arg0: i32, %arg1: i32) -> (i32, i32) {
    %c0_i32 = arith.constant 0 : i32
    %c0_i32_0 = arith.constant 0 : i32
    %c0_i32_1 = arith.constant 0 : i32
    return %c0_i32, %c0_i32_0 : i32, i32
  }
  func.func @transform_3(%arg0: i32, %arg1: i32) -> (i32, i32, i32) {
    %c0_i32 = arith.constant 0 : i32
    %c0_i32_0 = arith.constant 0 : i32
    return %arg0, %arg1, %c0_i32 : i32, i32, i32
  }
  func.func @transform_4(%arg0: i32, %arg1: i32) -> (i32, i32, i32) {
    %c0_i32 = arith.constant 0 : i32
    %c0_i32_0 = arith.constant 0 : i32
    return %arg0, %arg1, %c0_i32 : i32, i32, i32
  }
}

module attributes {stable_mosaic.version = 14 : i64} {
  func.func @_moe_kernel(%arg0: i32, %arg1: i32, %arg2: memref<10xi32, #tpu.memory_space<smem>>, %arg3: memref<1xi32, #tpu.memory_space<smem>>, %arg4: memref<512x1024xf8E4M3FN, #tpu.memory_space<vmem>>, %arg5: memref<1x1x1024x1024xf8E4M3FN, #tpu.memory_space<vmem>>, %arg6: memref<1x1x1x1024xf32, #tpu.memory_space<vmem>>, %arg7: memref<1x1x1024x1024xf8E4M3FN, #tpu.memory_space<vmem>>, %arg8: memref<1x1x1x1024xf32, #tpu.memory_space<vmem>>, %arg9: memref<5120x1024xf32, #tpu.memory_space<vmem>>) attributes {dimension_semantics = [#tpu.dimension_semantics<arbitrary>, #tpu.dimension_semantics<arbitrary>], iteration_bounds = array<i64: 8, 10>, scalar_prefetch = 2 : i64, scratch_operands = 0 : i64, tpu.core_type = #tpu.core_type<tc>, window_params = [{transform_indices = @transform_0, window_bounds = array<i64: 512, 1024>}, {transform_indices = @transform_1, window_bounds = array<i64: 1, 1, 1024, 1024>}, {transform_indices = @transform_2, window_bounds = array<i64: 1, 1, 1, 1024>}, {transform_indices = @transform_3, window_bounds = array<i64: 1, 1, 1024, 1024>}, {transform_indices = @transform_4, window_bounds = array<i64: 1, 1, 1, 1024>}, {pipeline_mode = #tpu.pipeline_mode<synchronous>, transform_indices = @transform_5, window_bounds = array<i64: 5120, 1024>}]} {
    %get3A = arith.constant 0 : index
    %get3A_0 = memref.load %arg3[%get3A] : memref<1xi32, #tpu.memory_space<smem>>
    %lt3A = arith.cmpi slt, %arg1, %get3A_0 : i32
    %convert_element_type3A = arith.extui %lt3A : i1 to i32
    %cond3A = arith.constant 0 : i32
    %cond3A_1 = arith.cmpi ne, %convert_element_type3A, %cond3A : i32
    scf.if %cond3A_1 {
      %get3A_2 = arith.constant 0 : index
      %get3A_3 = arith.constant 0 : index
      %get3A_4 = vector.load %arg4[%get3A_2, %get3A_3] : memref<512x1024xf8E4M3FN, #tpu.memory_space<vmem>>, vector<512x1024xf8E4M3FN>
      %get3A_5 = arith.constant 0 : index
      %get3A_6 = arith.constant 0 : index
      %get3A_7 = arith.constant 0 : index
      %get3A_8 = arith.constant 0 : index
      %get3A_9 = vector.load %arg5[%get3A_5, %get3A_6, %get3A_7, %get3A_8] : memref<1x1x1024x1024xf8E4M3FN, #tpu.memory_space<vmem>>, vector<1x1x1024x1024xf8E4M3FN>
      %get3A_10 = vector.shape_cast %get3A_9 : vector<1x1x1024x1024xf8E4M3FN> to vector<1024x1024xf8E4M3FN>
      %dot_general3A = arith.constant dense<0.000000e+00> : vector<512x1024xf32>
      %dot_general3A_11 = tpu.matmul %get3A_4, %get3A_10, %dot_general3A {dimension_numbers = #tpu.dot_dimension_numbers<[1], [0], [0], [1], [0, 0, 1, 1], [], []>, transpose_lhs_hint = false} : vector<512x1024xf8E4M3FN>, vector<1024x1024xf8E4M3FN>, vector<512x1024xf32> -> vector<512x1024xf32>
      %mul3A = arith.constant 6.250000e-02 : f32
      %mul3A_12 = vector.broadcast %mul3A : f32 to vector<512x1024xf32>
      %mul3A_13 = arith.mulf %dot_general3A_11, %mul3A_12 : vector<512x1024xf32>
      %get3A_14 = arith.constant 0 : index
      %get3A_15 = arith.constant 0 : index
      %get3A_16 = arith.constant 0 : index
      %get3A_17 = arith.constant 0 : index
      %get3A_18 = vector.load %arg6[%get3A_14, %get3A_15, %get3A_16, %get3A_17] : memref<1x1x1x1024xf32, #tpu.memory_space<vmem>>, vector<1x1x1x1024xf32>
      %get3A_19 = vector.shape_cast %get3A_18 : vector<1x1x1x1024xf32> to vector<1024xf32>
      %broadcast_in_dim3A = vector.shape_cast %get3A_19 : vector<1024xf32> to vector<1x1024xf32>
      %add3A = vector.broadcast %broadcast_in_dim3A : vector<1x1024xf32> to vector<512x1024xf32>
      %add3A_20 = arith.addf %mul3A_13, %add3A : vector<512x1024xf32>
      %mul3A_21 = arith.constant 5.000000e-01 : f32
      %mul3A_22 = vector.broadcast %mul3A_21 : f32 to vector<512x1024xf32>
      %mul3A_23 = arith.mulf %mul3A_22, %add3A_20 : vector<512x1024xf32>
      %div3A = arith.constant 1.41421354 : f32
      %div3A_24 = vector.broadcast %div3A : f32 to vector<512x1024xf32>
      %div3A_25 = arith.divf %add3A_20, %div3A_24 : vector<512x1024xf32>
      %erf3A = math.erf %div3A_25 : vector<512x1024xf32>
      %add3A_26 = arith.constant 1.000000e+00 : f32
      %add3A_27 = vector.broadcast %add3A_26 : f32 to vector<512x1024xf32>
      %add3A_28 = arith.addf %add3A_27, %erf3A : vector<512x1024xf32>
      %mul3A_29 = arith.mulf %mul3A_23, %add3A_28 : vector<512x1024xf32>
      %mul3A_30 = arith.constant 8.000000e+00 : f32
      %mul3A_31 = vector.broadcast %mul3A_30 : f32 to vector<512x1024xf32>
      %mul3A_32 = arith.mulf %mul3A_29, %mul3A_31 : vector<512x1024xf32>
      %convert_element_type3A_33 = arith.truncf %mul3A_32 : vector<512x1024xf32> to vector<512x1024xf8E4M3FN>
      %get3A_34 = arith.constant 0 : index
      %get3A_35 = arith.constant 0 : index
      %get3A_36 = arith.constant 0 : index
      %get3A_37 = arith.constant 0 : index
      %get3A_38 = vector.load %arg7[%get3A_34, %get3A_35, %get3A_36, %get3A_37] : memref<1x1x1024x1024xf8E4M3FN, #tpu.memory_space<vmem>>, vector<1x1x1024x1024xf8E4M3FN>
      %get3A_39 = vector.shape_cast %get3A_38 : vector<1x1x1024x1024xf8E4M3FN> to vector<1024x1024xf8E4M3FN>
      %dot_general3A_40 = arith.constant dense<0.000000e+00> : vector<512x1024xf32>
      %dot_general3A_41 = tpu.matmul %convert_element_type3A_33, %get3A_39, %dot_general3A_40 {dimension_numbers = #tpu.dot_dimension_numbers<[1], [0], [0], [1], [0, 0, 1, 1], [], []>, transpose_lhs_hint = false} : vector<512x1024xf8E4M3FN>, vector<1024x1024xf8E4M3FN>, vector<512x1024xf32> -> vector<512x1024xf32>
      %mul3A_42 = arith.constant 7.812500e-03 : f32
      %mul3A_43 = vector.broadcast %mul3A_42 : f32 to vector<512x1024xf32>
      %mul3A_44 = arith.mulf %dot_general3A_41, %mul3A_43 : vector<512x1024xf32>
      %get3A_45 = arith.constant 0 : index
      %get3A_46 = arith.constant 0 : index
      %get3A_47 = arith.constant 0 : index
      %get3A_48 = arith.constant 0 : index
      %get3A_49 = vector.load %arg8[%get3A_45, %get3A_46, %get3A_47, %get3A_48] : memref<1x1x1x1024xf32, #tpu.memory_space<vmem>>, vector<1x1x1x1024xf32>
      %get3A_50 = vector.shape_cast %get3A_49 : vector<1x1x1x1024xf32> to vector<1024xf32>
      %broadcast_in_dim3A_51 = vector.shape_cast %get3A_50 : vector<1024xf32> to vector<1x1024xf32>
      %add3A_52 = vector.broadcast %broadcast_in_dim3A_51 : vector<1x1024xf32> to vector<512x1024xf32>
      %add3A_53 = arith.addf %mul3A_44, %add3A_52 : vector<512x1024xf32>
      %mul3A_54 = arith.constant 1.250000e-01 : f32
      %mul3A_55 = vector.broadcast %mul3A_54 : f32 to vector<512x1024xf32>
      %mul3A_56 = arith.mulf %add3A_53, %mul3A_55 : vector<512x1024xf32>
      %mul3A_57 = arith.constant 512 : i32
      %mul3A_58 = arith.muli %arg1, %mul3A_57 : i32
      %eq3A = arith.constant 0 : i32
      %eq3A_59 = arith.cmpi eq, %arg0, %eq3A : i32
      %convert_element_type3A_60 = arith.extui %eq3A_59 : i1 to i32
      %cond3A_61 = arith.constant 0 : i32
      %cond3A_62 = arith.cmpi ne, %convert_element_type3A_60, %cond3A_61 : i32
      scf.if %cond3A_62 {
        %swap3A = arith.index_cast %mul3A_58 : i32 to index
        %swap3A_67 = arith.constant 0 : index
        %swap3A_68 = vector.load %arg9[%swap3A, %swap3A_67] : memref<5120x1024xf32, #tpu.memory_space<vmem>>, vector<512x1024xf32>
        tpu.vector_store %arg9[%swap3A, %swap3A_67], %mul3A_56 {strides = array<i32>} : memref<5120x1024xf32, #tpu.memory_space<vmem>>, vector<512x1024xf32>,
      } else {
      }
      %gt3A = arith.constant 0 : i32
      %gt3A_63 = arith.cmpi sgt, %arg0, %gt3A : i32
      %convert_element_type3A_64 = arith.extui %gt3A_63 : i1 to i32
      %cond3A_65 = arith.constant 0 : i32
      %cond3A_66 = arith.cmpi ne, %convert_element_type3A_64, %cond3A_65 : i32
      scf.if %cond3A_66 {
        %get3A_67 = arith.index_cast %mul3A_58 : i32 to index
        %get3A_68 = arith.constant 0 : index
        %get3A_69 = vector.load %arg9[%get3A_67, %get3A_68] : memref<5120x1024xf32, #tpu.memory_space<vmem>>, vector<512x1024xf32>
        %add3A_70 = arith.addf %get3A_69, %mul3A_56 : vector<512x1024xf32>
        %swap3A = arith.index_cast %mul3A_58 : i32 to index
        %swap3A_71 = arith.constant 0 : index
        %swap3A_72 = vector.load %arg9[%swap3A, %swap3A_71] : memref<5120x1024xf32, #tpu.memory_space<vmem>>, vector<512x1024xf32>
        tpu.vector_store %arg9[%swap3A, %swap3A_71], %add3A_70 {strides = array<i32>} : memref<5120x1024xf32, #tpu.memory_space<vmem>>, vector<512x1024xf32>,
      } else {
      }
    } else {
    }
    return
  }
  func.func @transform_0(%arg0: i32, %arg1: i32, %arg2: memref<10xi32, #tpu.memory_space<smem>>, %arg3: memref<1xi32, #tpu.memory_space<smem>>) -> (i32, i32) {
    %get3A = arith.constant 0 : index
    %get3A_0 = memref.load %arg3[%get3A] : memref<1xi32, #tpu.memory_space<smem>>
    %sub3A = arith.constant 1 : i32
    %sub3A_1 = arith.subi %get3A_0, %sub3A : i32
    %max3A = arith.constant 0 : i32
    %max3A_2 = arith.maxsi %sub3A_1, %max3A : i32
    %min3A = arith.minsi %arg1, %max3A_2 : i32
    %c0_i32 = arith.constant 0 : i32
    %c0_i32_3 = arith.constant 0 : i32
    return %min3A, %c0_i32 : i32, i32
  }
  func.func @transform_1(%arg0: i32, %arg1: i32, %arg2: memref<10xi32, #tpu.memory_space<smem>>, %arg3: memref<1xi32, #tpu.memory_space<smem>>) -> (i32, i32, i32, i32) {
    %get3A = arith.constant 0 : index
    %get3A_0 = memref.load %arg3[%get3A] : memref<1xi32, #tpu.memory_space<smem>>
    %sub3A = arith.constant 1 : i32
    %sub3A_1 = arith.subi %get3A_0, %sub3A : i32
    %max3A = arith.constant 0 : i32
    %max3A_2 = arith.maxsi %sub3A_1, %max3A : i32
    %min3A = arith.minsi %arg1, %max3A_2 : i32
    %get3A_3 = arith.index_cast %min3A : i32 to index
    %get3A_4 = memref.load %arg2[%get3A_3] : memref<10xi32, #tpu.memory_space<smem>>
    %c0_i32 = arith.constant 0 : i32
    %c0_i32_5 = arith.constant 0 : i32
    %c0_i32_6 = arith.constant 0 : i32
    return %get3A_4, %arg0, %c0_i32, %c0_i32_5 : i32, i32, i32, i32
  }
  func.func @transform_2(%arg0: i32, %arg1: i32, %arg2: memref<10xi32, #tpu.memory_space<smem>>, %arg3: memref<1xi32, #tpu.memory_space<smem>>) -> (i32, i32, i32, i32) {
    %get3A = arith.constant 0 : index
    %get3A_0 = memref.load %arg3[%get3A] : memref<1xi32, #tpu.memory_space<smem>>
    %sub3A = arith.constant 1 : i32
    %sub3A_1 = arith.subi %get3A_0, %sub3A : i32
    %max3A = arith.constant 0 : i32
    %max3A_2 = arith.maxsi %sub3A_1, %max3A : i32
    %min3A = arith.minsi %arg1, %max3A_2 : i32
    %get3A_3 = arith.index_cast %min3A : i32 to index
    %get3A_4 = memref.load %arg2[%get3A_3] : memref<10xi32, #tpu.memory_space<smem>>
    %c0_i32 = arith.constant 0 : i32
    %c0_i32_5 = arith.constant 0 : i32
    %c0_i32_6 = arith.constant 0 : i32
    return %get3A_4, %arg0, %c0_i32, %c0_i32_5 : i32, i32, i32, i32
  }
  func.func @transform_3(%arg0: i32, %arg1: i32, %arg2: memref<10xi32, #tpu.memory_space<smem>>, %arg3: memref<1xi32, #tpu.memory_space<smem>>) -> (i32, i32, i32, i32) {
    %get3A = arith.constant 0 : index
    %get3A_0 = memref.load %arg3[%get3A] : memref<1xi32, #tpu.memory_space<smem>>
    %sub3A = arith.constant 1 : i32
    %sub3A_1 = arith.subi %get3A_0, %sub3A : i32
    %max3A = arith.constant 0 : i32
    %max3A_2 = arith.maxsi %sub3A_1, %max3A : i32
    %min3A = arith.minsi %arg1, %max3A_2 : i32
    %get3A_3 = arith.index_cast %min3A : i32 to index
    %get3A_4 = memref.load %arg2[%get3A_3] : memref<10xi32, #tpu.memory_space<smem>>
    %c0_i32 = arith.constant 0 : i32
    %c0_i32_5 = arith.constant 0 : i32
    %c0_i32_6 = arith.constant 0 : i32
    return %get3A_4, %arg0, %c0_i32, %c0_i32_5 : i32, i32, i32, i32
  }
  func.func @transform_4(%arg0: i32, %arg1: i32, %arg2: memref<10xi32, #tpu.memory_space<smem>>, %arg3: memref<1xi32, #tpu.memory_space<smem>>) -> (i32, i32, i32, i32) {
    %get3A = arith.constant 0 : index
    %get3A_0 = memref.load %arg3[%get3A] : memref<1xi32, #tpu.memory_space<smem>>
    %sub3A = arith.constant 1 : i32
    %sub3A_1 = arith.subi %get3A_0, %sub3A : i32
    %max3A = arith.constant 0 : i32
    %max3A_2 = arith.maxsi %sub3A_1, %max3A : i32
    %min3A = arith.minsi %arg1, %max3A_2 : i32
    %get3A_3 = arith.index_cast %min3A : i32 to index
    %get3A_4 = memref.load %arg2[%get3A_3] : memref<10xi32, #tpu.memory_space<smem>>
    %c0_i32 = arith.constant 0 : i32
    %c0_i32_5 = arith.constant 0 : i32
    %c0_i32_6 = arith.constant 0 : i32
    return %get3A_4, %arg0, %c0_i32, %c0_i32_5 : i32, i32, i32, i32
  }
  func.func @transform_5(%arg0: i32, %arg1: i32, %arg2: memref<10xi32, #tpu.memory_space<smem>>, %arg3: memref<1xi32, #tpu.memory_space<smem>>) -> (i32, i32) {
    %c0_i32 = arith.constant 0 : i32
    %c0_i32_0 = arith.constant 0 : i32
    %c0_i32_1 = arith.constant 0 : i32
    return %c0_i32, %c0_i32_0 : i32, i32
  }
}

</mosaic_0001>

<sc_bundles>
// kernel: gather_offload_async_start.1
scs
__scs_entry_jumppad:
0x0: {  	(pc) =	sbr.rel $0x88, $3  }
0x1: {  	(tag) =	ssettag $0x0;
	lr =	simm.s32 $0x1  }
0x2: {  	[smem:$0x3F91] =	sst lr;
	_ =	strace $0xD0000000  }
0x3: {  	_ = 	snop  }
0x4: {  	_ = 	snop  }
0x5: {  	_ = 	snop  }
0x6: {  	_ = 	snop  }
0x7: {  	_ = 	snop  }
__scs_overlays_trampoline_lowered:
0x8: {  	[smem:$0x3FA0] =	sst s0  }
0x9: {  	[smem:$0x3FA1] =	sst s1  }
0xa: {  	[smem:$0x3FA2] =	sst s2  }
0xb: {  	[smem:$0x3FA3] =	sst s3  }
0xc: {  	[smem:$0x3FA4] =	sst s4  }
0xd: {  	[smem:$0x3FA5] =	sst s5  }
0xe: {  	[smem:$0x3FA6] =	sst s6  }
0xf: {  	[smem:$0x3FA7] =	sst s7  }
0x10: {  	[smem:$0x3FA8] =	sst s8  }
0x11: {  	[smem:$0x3FA9] =	sst s9;
	s0 =	simm.s32 @!p0 $0x0  }
0x12: {  	s1 =	sld [smem:$0x3F8F];
	s0 =	simm.s32 @p0 $0x1  }
0x13: {  	[smem:$0x3FAA] =	sst s0;
	s0 =	simm.s32 @!p1 $0x0  }
0x14: {  	s2 =	sld [smem:$0x3F8E];
	s0 =	simm.s32 @p1 $0x1  }
0x15: {  	[smem:$0x3FAB] =	sst s0;
	s0 =	simm.s32 @!p2 $0x0  }
0x16: {  	s3 =	sld [smem:$0x3FDB];
	s0 =	simm.s32 @p2 $0x1  }
0x17: {  	s4 =	simm.s32 $0x1BF5;
	[smem:$0x3FAD] =	sst s0  }
0x18: {  	s0 =	sld [smem:$0x3F90];
	_ =	swait.ge [sflag:s4], $0x0  }
0x19: {  	s7 =	sld [smem:$0x3F91]  }
0x1a: {  	s8 =	sadd.s32 $0xFFFFE003, lr  }
0x1b: {  	s9 =	sadd.s32 $0xFFFFFEF7, lr;
	s5 =	simm.s32 $0xFFFFFFFF;
	p2 =	slt.u32 s8, $0xFFFFF086  }
0x1c: {  	p1 =	slt.u32 s9, $0xF7A;
	s5 =	simm.s32 @!p2 $0x0  }
0x1d: {  	s5 =	simm.s32 @p1 $0x1;
	p0 =	seq.s32 s7, s2  }
0x1e: {  	s7 =	smul.u32 @!p0 $0xF7A, s2;
	p2 =	seq.s32 @!p0 s5, $0x0  }
0x1f: {  	s9 =	smul.u32 $0xF7A, s1;
	s8 =	simm.s32 @!p0 $0x1BF5;
	p2 =	por !p2, p0  }
0x20: {  	[sflag:s8] =	ssyncset.s32 @!p0 $0xFFFFF086;
	s6 =	sadd.s32 @!p0 s3, s7;
	s7 =	simm.s32 @!p0 $0x108  }
0x21: {  	s3 =	sadd.s32 s3, s9;
	s6 =	sadd.s32 @!p0 $0x88, s6;
	s7 =	simm.s32 @p2 $0x1082  }
0x22: {  	[simem:s7], [sflag:s8] =	dma.local @!p0 [hbm:s6], $0xF7A  }
0x23: {  	s9 =	sor.u32 $0xD0000000, s2;
	s6 =	simm.s32 $0x108;
	_ =	swait.ge @!p0 [sflag:s8], $0x0  }
0x24: {  	s3 =	sadd.s32 $0x88, s3;
	s6 =	simm.s32 @!p1 $0x1082;
	[sflag:s4] =	ssyncset.s32 $0xFFFFF086  }
0x25: {  	[simem:s6], [sflag:s4] =	dma.local [hbm:s3], $0xF7A  }
0x26: {  	[smem:$0x3F91] =	sst s1;
	(tag) =	ssettag s2;
	_ =	strace s9  }
0x27: {  	s1 =	sld [smem:$0x3FA1]  }
0x28: {  	s2 =	sld [smem:$0x3FA2]  }
0x29: {  	s4 =	sld [smem:$0x3FA4]  }
0x2a: {  	p0 =	seq.s32 s5, $0x0;
	s5 =	sld [smem:$0x3FA5]  }
0x2b: {  	s6 =	sld [smem:$0x3FA6]  }
0x2c: {  	s7 =	sld [smem:$0x3FA7]  }
0x2d: {  	s3 =	simm.s32 $0x108;
	s8 =	sld [smem:$0x3FA8]  }
0x2e: {  	s3 =	simm.s32 @!p0 $0x1082;
	s9 =	sld [smem:$0x3FA9]  }
0x2f: {  	lr =	sadd.s32 s0, s3;
	s0 =	sld [smem:$0x3FA0]  }
0x30: {  	s3 =	sld [smem:$0x3FA3]  }
0x31: {  	[smem:$0x3FAC] =	sst s10  }
0x32: {  	s10 =	sld [smem:$0x3FAA];
	_ =	sdelay $0x3  }
0x33: {  	p0 =	seq.s32 s10, $0x1;
	s10 =	sld [smem:$0x3FAC];
	_ =	sdelay $0x3  }
0x34: {  	[smem:$0x3FAC] =	sst s10  }
0x35: {  	s10 =	sld [smem:$0x3FAB];
	_ =	sdelay $0x3  }
0x36: {  	p1 =	seq.s32 s10, $0x1;
	s10 =	sld [smem:$0x3FAC];
	_ =	sdelay $0x3  }
0x37: {  	[smem:$0x3FAC] =	sst s10  }
0x38: {  	s10 =	sld [smem:$0x3FAD]  }
0x39: {  	_ = 	snop;
	(pc) =	sbr.ind lr, $3  }
0x3a: {  	_ = 	snop  }
0x3b: {  	_ = 	snop  }
0x3c: {  	p2 =	seq.s32 s10, $0x1;
	s10 =	sld [smem:$0x3FAC]  }
0x3d: {  	_ =	shalt  }
0x3e: {  	_ =	shalt  }
0x3f: {  	_ =	shalt  }
0x40: {  	_ =	shalt  }
0x41: {  	_ =	shalt  }
0x42: {  	_ =	shalt  }
0x43: {  	_ =	shalt  }
0x44: {  	_ =	shalt  }
0x45: {  	_ =	shalt  }
0x46: {  	_ =	shalt  }
0x47: {  	_ =	shalt  }
0x48: {  	_ =	shalt  }
0x49: {  	_ =	shalt  }
0x4a: {  	_ =	shalt  }
0x4b: {  	_ =	shalt  }
0x4c: {  	_ =	shalt  }
0x4d: {  	_ =	shalt  }
0x4e: {  	_ =	shalt  }
0x4f: {  	_ =	shalt  }
0x50: {  	_ =	shalt  }
0x51: {  	_ =	shalt  }
0x52: {  	_ =	shalt  }
0x53: {  	_ =	shalt  }
0x54: {  	_ =	shalt  }
0x55: {  	_ =	shalt  }
0x56: {  	_ =	shalt  }
0x57: {  	_ =	shalt  }
0x58: {  	_ =	shalt  }
0x59: {  	_ =	shalt  }
0x5a: {  	_ =	shalt  }
0x5b: {  	_ =	shalt  }
0x5c: {  	_ =	shalt  }
0x5d: {  	_ =	shalt  }
0x5e: {  	_ =	shalt  }
0x5f: {  	_ =	shalt  }
0x60: {  	_ =	shalt  }
0x61: {  	_ =	shalt  }
0x62: {  	_ =	shalt  }
0x63: {  	_ =	shalt  }
0x64: {  	_ =	shalt  }
0x65: {  	_ =	shalt  }
0x66: {  	_ =	shalt  }
0x67: {  	_ =	shalt  }
0x68: {  	_ =	shalt  }
0x69: {  	_ =	shalt  }
0x6a: {  	_ =	shalt  }
0x6b: {  	_ =	shalt  }
0x6c: {  	_ =	shalt  }
0x6d: {  	_ =	shalt  }
0x6e: {  	_ =	shalt  }
0x6f: {  	_ =	shalt  }
0x70: {  	_ =	shalt  }
0x71: {  	_ =	shalt  }
0x72: {  	_ =	shalt  }
0x73: {  	_ =	shalt  }
0x74: {  	_ =	shalt  }
0x75: {  	_ =	shalt  }
0x76: {  	_ =	shalt  }
0x77: {  	_ =	shalt  }
0x78: {  	_ =	shalt  }
0x79: {  	_ =	shalt  }
0x7a: {  	_ =	shalt  }
0x7b: {  	_ =	shalt  }
0x7c: {  	_ =	shalt  }
0x7d: {  	_ =	shalt  }
0x7e: {  	_ =	shalt  }
0x7f: {  	_ =	shalt  }
0x80: {  	_ =	shalt  }
0x81: {  	_ =	shalt  }
0x82: {  	_ =	shalt  }
0x83: {  	_ =	shalt  }
0x84: {  	_ =	shalt  }
0x85: {  	_ =	shalt  }
0x86: {  	_ =	shalt  }
0x87: {  	_ =	shalt  }
.Lfunc_end0:
.L_simem_size_0:
called_computation.2_lowered:
.L_overlay_start_0:
0x88: {  	s2 =	sld [smem:$0x3FD9]  }
0x89: {  	s3 =	sld [smem:$0x3FFE];
	_ =	sdelay $0x1  }
0x8a: {  	s1 =	srdreg.scid  }
0x8b: {  	s0 =	sand.u32 $0x1, s1  }
0x8c: {  	s17 =	sshll.u32 s0, $0xA;
	s2 =	sadd.s32 s3, s2  }
0x8d: {  	s2 =	sadd.s32 s2, s17  }
0x8e: {  	[smem:$0x3FB8] =	sst s2  }
0x8f: {  	_ = 	snop  }
0x90: {  	s2 =	sld [smem:$0x3FD0];
	(tm) =	ssettm $0x1  }
0x91: {  	s18 =	sld [smem:$0x3FFB];
	_ =	sdelay $0x3  }
0x92: {  	_ =	strace s18  }
0x93: {  	s3 =	sld [smem:$0x3FFC];
	_ =	sdelay $0x3  }
0x94: {  	_ =	strace s3  }
0x95: {  	s3 =	sld [smem:$0x3FFD];
	_ =	sdelay $0x3  }
0x96: {  	_ =	strace s3  }
0x97: {  	_ =	strace $0x8FFFFFFF  }
0x98: {  	s19 =	sld [smem:$0x3FDB];
	_ =	sdelay $0x1  }
0x99: {  	s4 =	simm.s32 $_scs_section_size  }
0x9a: {  	s5 =	simm.s32 $_size__tile_overlayer_lowered;
	s6 =	simm.s32 $_tile_overlayer_lowered  }
0x9b: {  	s22 =	simm.s32 $0x1BFF;
	s21 =	sshll.u32 s6, $0x1;
	s3 =	sadd.s32 s4, s19  }
0x9c: {  	s7 =	simm.s32 $0x0;
	s20 =	sshll.u32 s5, $0x1;
	s5 =	sadd.s32 s21, s3  }
0x9d: {  	[timem:s7], [sflag:s22] =	dma.local [hbm:s5], s20  }
0x9e: {  	_ =	swait.ge [sflag:s22], s20  }
0x9f: {  	s4 =	ssub.s32 $0x0, s20;
	[sflag:s22] =	ssyncset.done $0x0  }
0xa0: {  	[sflag:s22] =	ssyncadd.s32 s4;
	_ =	sdelay $0x1  }
0xa1: {  	s23 =	simm.s32 $0x1B8B  }
0xa2: {  	_ =	swait.ge [sflag:s23], $0x1  }
0xa3: {  	[sflag:s23] =	ssyncset.done $0x0  }
0xa4: {  	s25 =	simm.s32 $0x1B8E;
	s24 =	sld [smem:$0x3FFE];
	[sflag:s23] =	ssyncadd.s32 $0xFFFFFFFF  }
0xa5: {  	s26 =	simm.s32 $execute0_lowered;
	[smem:$0x3FD2] =	sst s25  }
0xa6: {  	s5 =	sshll.u32 s26, $0x1;
	_ =	strace $0x8000004C;
	[dreg:$0x1] =	wrdreg $0xFFFFFFFF  }
0xa7: {  	s28 =	simm.s32 $_size_execute0_lowered;
	s3 =	sadd.s32 s3, s5;
	[dreg:$0x0] =	wrdreg $0x0  }
0xa8: {  	s5 =	sshll.u32 s28, $0x1;
	[dreg:$0x2] =	wrdreg s3  }
0xa9: {  	[dreg:$0x3] =	wrdreg s5  }
0xaa: {  	[dreg:$0x4] =	wrdreg $0xC0  }
0xab: {  	_ =	task [dreg:s7], $0x5FFFF  }
0xac: {  	[dreg:$0x1] =	wrdreg $0xFFFFFFFF  }
0xad: {  	[dreg:$0x0] =	wrdreg $0x60  }
0xae: {  	[dreg:$0x2] =	wrdreg s24  }
0xaf: {  	[dreg:$0x3] =	wrdreg s2  }
0xb0: {  	[dreg:$0x4] =	wrdreg $0x9  }
0xb1: {  	_ =	task.clear_ibuf [dreg:s7], $0x5FFFF;
	_ =	strace $0x9000004C  }
0xb2: {  	s29 =	simm.s32 $0x9;
	_ =	strace $0x8000004E  }
0xb3: {  	_ =	swait.ge [sflag:s29], $0x1  }
0xb4: {  	[sflag:s29] =	ssyncadd.s32 $0xFFFFFFFF  }
0xb5: {  	_ =	strace $0x9000004E  }
0xb6: {  	_ =	sfence  }
0xb7: {  	s30 =	sld [smem:$0x0];
	_ =	sdelay $0x2  }
0xb8: {  	s31 =	sshll.u32 s1, $0xD;
	s1 =	sshrl.u32 s1, $0x2  }
0xb9: {  	s3 =	sand.u32 $0x4000, s31;
	s1 =	sadd.s32 s1, s30  }
0xba: {  	s0 =	sor.u32 s3, s0;
	s1 =	sshll.u32 s1, $0x11  }
0xbb: {  	s0 =	sor.u32 s1, s0  }
0xbc: {  	s0 =	sadd.s32 $0x8F2B, s0  }
0xbd: {  	[sflag:s0] =	ssyncadd.remote.s32 $0x1  }
0xbe: {  	_ =	sfence.sel $0xFFFF  }
0xbf: {  	[dreg:$0x0] =	wrdreg $0xFFFFFFFF;
	(pc) =	sbr.abs _section_cstart, $3  }
0xc0: {  	[dreg:$0x1] =	wrdreg $0xFFFFFFFF  }
0xc1: {  	_ =	task.clear_ibuf [dreg:s7], $0x2FFFF;
	_ =	strace $0x9FFFFFFF  }
0xc2: {  	(tm) =	ssettm $0x7FFFFFFF  }
0xc3: {  	_ =	shalt  }
tec
execute0_lowered:
.L_overlay_start_1:
0x0: {  	(tag) =	ssettag $0x1  }
0x1: {  	s7 =	rddreg [dreg:$0x0]  }
0x2: {  	s2 =	rddreg [dreg:$0x1]  }
0x3: {  	s0 =	rddreg [dreg:$0x2]  }
0x4: {  	s1 =	srdreg.scid;
	_ =	strace $0x8000004D;
	s4 =	simm.s32 $0x1  }
0x5: {  	s9 =	simm.s32 $0x3;
	s11 =	simm.s32 $0x0;
	s5 =	sshll.u32 s1, $0x4  }
.Ltmp0:
0x6: {  	s1 =	stileid.u32;
	s5 =	sand.u32 $0x10, s5;
	(pc) =	sbr.rel .LBB2_1-.Ltmp0, $4  }
0x7: {  	p0 =	por $0x0, $0x0;
	s3 =	sadd.s32 $0x85400, s7;
	s6 =	sor.u32 s1, s5  }
0x8: {  	[sflag:s4] =	ssyncpa.u1 $0x0;
	s5 =	simm.s32 $0x2;
	s6 =	sshll.u32 s6, $0x7  }
0x9: {  	s7 =	sadd.s32 $0x85200, s7;
	[sflag:s5] =	ssyncpa.u1 $0x0;
	s8 =	sadd.s32 $0x80, s6  }
0xa: {  	vm0 =	vmmov $0xff;
	vm1 =	vcmask $0x3F20;
	[sflag:s9] =	ssyncpa.u1 $0x0;
	s10 =	smov.u32 s6;
	s9 =	simm.s32 $0x0  }
.LBB2_9:
0xb: {  	p1 =	slt.u32 s9, $0x2;
	s11 =	sadd.s32 $0x20, s10  }
0xc: {  	s13 =	smov.u32 s6;
	s9 =	sadd.s32 $0x1, s9;
	p2 =	slt.s32 s11, s8  }
0xd: {  	s13 =	smov.u32 @p2 s11;
	p2 =	sne.s32 s9, $0x6  }
.Ltmp1:
0xe: {  	_ = 	snop;
	(pc) =	sbr.rel @!p2 .LBB2_10-.Ltmp1, $4  }
0xf: {  	s12 =	simm.s32 @!p1 $0x3  }
0x10: {  	_ =	swait.ge @!p1 [sflag:s12], $0x8000  }
0x11: {  	p0 =	por !p0, !p0;
	[sflag:s12] =	ssyncset.done @!p1 $0x0  }
0x12: {  	s11 =	smov.u32 s10;
	s10 =	smov.u32 s13;
	[sflag:s12] =	ssyncadd.s32 @!p1 $0xFFFF8000  }
.LBB2_1:
0x13: {  	p1 =	sgt.u32 s9, $0x3  }
0x14: {  	s12 =	sxor.u32 @!p1 $0xFFFFFFFF, s9  }
0x15: {  	s13 =	sshrl.u32 @!p1 s10, $0x3;
	s12 =	sshll.u32 @!p1 s12, $0x5  }
0x16: {  	s14 =	sand.u32 @!p1 $0x7, s10;
	s13 =	sadd.s32 @!p1 s7, s13;
	s12 =	sand.u32 @!p1 $0x20, s12  }
0x17: {  	[tilespmem:s12], [sflag:$0x2] =	stream.linear.gather @!p1 [hbm4b:s13+s14], $0x20, $0x38;
	[tilespmem:$0x10040] =	vst v63  }
0x18: {  	p1 =	seq.s32 s9, $0x0  }
0x19: {  	p2 =	seq.s32 @!p1 s9, $0x5  }
0x1a: {  	p1 =	por p1, p2  }
.Ltmp2:
0x1b: {  	_ = 	snop;
	(pc) =	sbr.rel @p1 .LBB2_9-.Ltmp2, $1  }
0x1c: {  	_ =	sdelay $0x3  }
0x1d: {  	s12 =	simm.s32 $0x1  }
0x1e: {  	_ =	swait.ge [sflag:s5], $0x20;
	s13 =	sand.u32 $0x1, s9;
	s12 =	simm.s32 @!p0 $0x0  }
0x1f: {  	s15 =	simm.s32 $0x0;
	p2 =	por $0x1, $0x1;
	s12 =	sshll.u32 s12, $0x11  }
0x20: {  	[sflag:s5] =	ssyncset.done $0x0;
	s13 =	sshll.u32 s13, $0x5;
	s14 =	sshrl.u32 s12, $0x2  }
0x21: {  	[sflag:s5] =	ssyncadd.s32 $0xFFFFFFE0;
	s12 =	sor.u32 $0x40, s14;
	s14 =	sadd.s32 $0x40, s14  }
.LBB2_3:
0x22: {  	s16 =	sshll.u32 s15, $0x4  }
0x23: {  	s16 =	sand.u32 $0x3FFFFFF0, s16  }
0x24: {  	s16 =	sadd.s32 s16, s13  }
0x25: {  	v0 =	vld.msk [tilespmem:s16+$0x0 ss:$0x1], $0xffff;
	_ =	sdelay $0x4  }
0x26: {  	vm2 =	vgt.s32 v0, $0x0  }
0x27: {  	v0 =	vnsel vm2, $0x0, v0  }
0x28: {  	v0 =	vmin.u32 v0, $0x13FF  }
0x29: {  	v1 =	vshll.u32 v0, $0x7;
	v0 =	vshll.u32 v0, $0x4  }
0x2a: {  	v1 =	vand.u32 $0xFFC00, v1;
	v0 =	vand.u32 $0x70, v0  }
0x2b: {  	v0 =	vor.u32 v0, v1  }
0x2c: {  	s31 =	sshll.u32 s15, $0x10  }
0x2d: {  	s15 =	sshra.s32 s31, $0x2  }
0x2e: {  	s15 =	sadd.s32 s15, s14  }
0x2f: {  	s17 =	sadd.s32 $0x0, s15  }
0x30: {  	[tilespmem:s17], [sflag:$0x1] =	stream.indirect_vreg.gather [hbm:s3], $0x80, v0, vm0, $0x38;
	[tilespmem:$0x10040] =	vst v63  }
0x31: {  	p1 =	por p2, p2;
	s16 =	simm.s32 $0x1000;
	v1 =	vadd.s32 $0x80, v0;
	s17 =	sadd.s32 $0x2000, s17  }
.LBB2_4:
0x32: {  	[tilespmem:s17], [sflag:$0x1] =	stream.indirect_vreg.gather [hbm:s3], $0x80, v0, vm1, $0x38;
	[tilespmem:$0x10040] =	vst v63  }
0x33: {  	v0 =	vmov v1;
	s17 =	smov.u32 s16;
	p2 =	sne.s32 s16, $0x7000  }
.Ltmp3:
0x34: {  	s16 =	sadd.s32 $0x1000, s16;
	(pc) =	sbr.rel @p2 .LBB2_4-.Ltmp3, $4  }
0x35: {  	s17 =	sshra.s32 s17, $0x2  }
0x36: {  	s17 =	sadd.s32 s17, s15  }
0x37: {  	[tilespmem:s17], [sflag:$0x1] =	stream.indirect_vreg.gather [hbm:s3], $0x80, v1, vm0, $0x38;
	[tilespmem:$0x10040] =	vst v63  }
0x38: {  	s17 =	sadd.s32 $0x2000, s17;
	v1 =	vadd.s32 $0x80, v1  }
0x39: {  	_ = 	snop  }
.Ltmp4:
0x3a: {  	_ = 	snop;
	(pc) =	sbr.rel @p1 .LBB2_3-.Ltmp4, $3  }
0x3b: {  	_ =	sdelay $0x1  }
0x3c: {  	[tilespmem:s17], [sflag:$0x1] =	stream.indirect_vreg.gather [hbm:s3], $0x80, v0, vm1, $0x38;
	[tilespmem:$0x10040] =	vst v63  }
0x3d: {  	s15 =	simm.s32 $0x1;
	p2 =	por $0x0, $0x0  }
0x3e: {  	s13 =	sshll.u32 s11, $0x7  }
0x3f: {  	s31 =	sshll.u32 s11, $0x4;
	s13 =	sand.u32 $0xFFFFFC00, s13  }
0x40: {  	_ =	swait.ge [sflag:s4], $0x8000;
	s11 =	sand.u32 $0x70, s31;
	s13 =	sadd.s32 s13, s2  }
0x41: {  	s14 =	sadd.s32 $0x2000, s12;
	[sflag:s4] =	ssyncset.done $0x0;
	s11 =	sadd.s32 s11, s13  }
0x42: {  	[sflag:s4] =	ssyncadd.s32 $0xFFFF8000;
	s13 =	simm.s32 $0x400;
	s15 =	sadd.s32 $0x0, s11  }
.LBB2_7:
0x43: {  	[hbm:s15] =	stream.linear.scatter [tilespmem:s12], [sflag:$0x3], $0x2000, $0x38;
	[tilespmem:$0x10040] =	vst v63  }
0x44: {  	s15 =	smov.u32 s13;
	s12 =	smov.u32 s14;
	p1 =	sne.s32 s13, $0xC00  }
.Ltmp5:
0x45: {  	s13 =	sadd.s32 $0x400, s13;
	(pc) =	sbr.rel @p1 .LBB2_7-.Ltmp5, $2  }
0x46: {  	_ =	sdelay $0x2  }
0x47: {  	s14 =	sadd.s32 $0x2000, s14;
	s15 =	sadd.s32 s15, s11  }
.Ltmp6:
0x48: {  	(pc) =	sbr.rel .LBB2_9-.Ltmp6, $2  }
0x49: {  	_ =	sdelay $0x2  }
0x4a: {  	[hbm:s15] =	stream.linear.scatter [tilespmem:s12], [sflag:$0x3], $0x2000, $0x38;
	[tilespmem:$0x10040] =	vst v63  }
.LBB2_10:
0x4b: {  	_ =	sfence.sel $0x180000  }
0x4c: {  	s2 =	simm.s32 $0x2;
	[bflag:$0x0] =	sbarrier.arrive $0xFFFF  }
0x4d: {  	s30 =	simm.s32 $0x3;
	[sflag:s2] =	ssyncpa.u1 $0x1  }
0x4e: {  	s31 =	simm.s32 $0x1;
	[sflag:s30] =	ssyncpa.u1 $0x1  }
0x4f: {  	[sflag:s31] =	ssyncpa.u1 $0x1  }
0x50: {  	p0 =	sne.s32 s1, $0x0;
	_ =	strace $0x9000004D  }
0x51: {  	s0 =	sadd.s32 @!p0 $0x100000, s0;
	[bflag:$0x2] =	sbarrier.arrive $0xFFFF  }
0x52: {  	[sflag:s0] =	ssyncadd.tile.s32 @!p0 $0x1;
	_ =	shalt  }
.Lfunc_end2:
_tile_overlayer_lowered:
.L_overlay_start_2:
0x53: {  	(tag) =	ssettag $0x2  }
0x54: {  	s0 =	rddreg [dreg:$0x0];
	s2 =	stileid.u32  }
0x55: {  	s1 =	rddreg [dreg:$0x1];
	p0 =	sne.s32 s2, $0x0  }
0x56: {  	s3 =	rddreg [dreg:$0x2];
	[bflag:$0x3] =	sbarrier.arrive $0xFFFF;
	s2 =	simm.s32 @!p0 $0x1C01  }
0x57: {  	[timem:s3], [sflag:s2] =	dma.local @!p0 [hbm:s0], s1  }
0x58: {  	s0 =	simm.s32 @!p0 $0x1  }
0x59: {  	_ =	swait.ge @!p0 [sflag:s0], s1  }
0x5a: {  	s1 =	ssub.s32 @!p0 $0x0, s1;
	[sflag:s0] =	ssyncset.done @!p0 $0x0  }
0x5b: {  	[sflag:s0] =	ssyncadd.s32 @!p0 s1  }
0x5c: {  	[bflag:$0x3] =	sbarrier.arrive $0xFFFF  }
0x5d: {  	_ =	shalt  }

// kernel: gather_offload_async_start
scs
__scs_entry_jumppad:
0x0: {  	(pc) =	sbr.rel $0x88, $3  }
0x1: {  	(tag) =	ssettag $0x0;
	lr =	simm.s32 $0x1  }
0x2: {  	[smem:$0x3F91] =	sst lr;
	_ =	strace $0xD0000000  }
0x3: {  	_ = 	snop  }
0x4: {  	_ = 	snop  }
0x5: {  	_ = 	snop  }
0x6: {  	_ = 	snop  }
0x7: {  	_ = 	snop  }
__scs_overlays_trampoline_lowered:
0x8: {  	[smem:$0x3FA0] =	sst s0  }
0x9: {  	[smem:$0x3FA1] =	sst s1  }
0xa: {  	[smem:$0x3FA2] =	sst s2  }
0xb: {  	[smem:$0x3FA3] =	sst s3  }
0xc: {  	[smem:$0x3FA4] =	sst s4  }
0xd: {  	[smem:$0x3FA5] =	sst s5  }
0xe: {  	[smem:$0x3FA6] =	sst s6  }
0xf: {  	[smem:$0x3FA7] =	sst s7  }
0x10: {  	[smem:$0x3FA8] =	sst s8  }
0x11: {  	[smem:$0x3FA9] =	sst s9;
	s0 =	simm.s32 @!p0 $0x0  }
0x12: {  	s1 =	sld [smem:$0x3F8F];
	s0 =	simm.s32 @p0 $0x1  }
0x13: {  	[smem:$0x3FAA] =	sst s0;
	s0 =	simm.s32 @!p1 $0x0  }
0x14: {  	s2 =	sld [smem:$0x3F8E];
	s0 =	simm.s32 @p1 $0x1  }
0x15: {  	[smem:$0x3FAB] =	sst s0;
	s0 =	simm.s32 @!p2 $0x0  }
0x16: {  	s3 =	sld [smem:$0x3FDB];
	s0 =	simm.s32 @p2 $0x1  }
0x17: {  	s4 =	simm.s32 $0x1BF5;
	[smem:$0x3FAD] =	sst s0  }
0x18: {  	s0 =	sld [smem:$0x3F90];
	_ =	swait.ge [sflag:s4], $0x0  }
0x19: {  	s7 =	sld [smem:$0x3F91]  }
0x1a: {  	s8 =	sadd.s32 $0xFFFFE003, lr  }
0x1b: {  	s9 =	sadd.s32 $0xFFFFFEF7, lr;
	s5 =	simm.s32 $0xFFFFFFFF;
	p2 =	slt.u32 s8, $0xFFFFF086  }
0x1c: {  	p1 =	slt.u32 s9, $0xF7A;
	s5 =	simm.s32 @!p2 $0x0  }
0x1d: {  	s5 =	simm.s32 @p1 $0x1;
	p0 =	seq.s32 s7, s2  }
0x1e: {  	s7 =	smul.u32 @!p0 $0xF7A, s2;
	p2 =	seq.s32 @!p0 s5, $0x0  }
0x1f: {  	s9 =	smul.u32 $0xF7A, s1;
	s8 =	simm.s32 @!p0 $0x1BF5;
	p2 =	por !p2, p0  }
0x20: {  	[sflag:s8] =	ssyncset.s32 @!p0 $0xFFFFF086;
	s6 =	sadd.s32 @!p0 s3, s7;
	s7 =	simm.s32 @!p0 $0x108  }
0x21: {  	s3 =	sadd.s32 s3, s9;
	s6 =	sadd.s32 @!p0 $0x88, s6;
	s7 =	simm.s32 @p2 $0x1082  }
0x22: {  	[simem:s7], [sflag:s8] =	dma.local @!p0 [hbm:s6], $0xF7A  }
0x23: {  	s9 =	sor.u32 $0xD0000000, s2;
	s6 =	simm.s32 $0x108;
	_ =	swait.ge @!p0 [sflag:s8], $0x0  }
0x24: {  	s3 =	sadd.s32 $0x88, s3;
	s6 =	simm.s32 @!p1 $0x1082;
	[sflag:s4] =	ssyncset.s32 $0xFFFFF086  }
0x25: {  	[simem:s6], [sflag:s4] =	dma.local [hbm:s3], $0xF7A  }
0x26: {  	[smem:$0x3F91] =	sst s1;
	(tag) =	ssettag s2;
	_ =	strace s9  }
0x27: {  	s1 =	sld [smem:$0x3FA1]  }
0x28: {  	s2 =	sld [smem:$0x3FA2]  }
0x29: {  	s4 =	sld [smem:$0x3FA4]  }
0x2a: {  	p0 =	seq.s32 s5, $0x0;
	s5 =	sld [smem:$0x3FA5]  }
0x2b: {  	s6 =	sld [smem:$0x3FA6]  }
0x2c: {  	s7 =	sld [smem:$0x3FA7]  }
0x2d: {  	s3 =	simm.s32 $0x108;
	s8 =	sld [smem:$0x3FA8]  }
0x2e: {  	s3 =	simm.s32 @!p0 $0x1082;
	s9 =	sld [smem:$0x3FA9]  }
0x2f: {  	lr =	sadd.s32 s0, s3;
	s0 =	sld [smem:$0x3FA0]  }
0x30: {  	s3 =	sld [smem:$0x3FA3]  }
0x31: {  	[smem:$0x3FAC] =	sst s10  }
0x32: {  	s10 =	sld [smem:$0x3FAA];
	_ =	sdelay $0x3  }
0x33: {  	p0 =	seq.s32 s10, $0x1;
	s10 =	sld [smem:$0x3FAC];
	_ =	sdelay $0x3  }
0x34: {  	[smem:$0x3FAC] =	sst s10  }
0x35: {  	s10 =	sld [smem:$0x3FAB];
	_ =	sdelay $0x3  }
0x36: {  	p1 =	seq.s32 s10, $0x1;
	s10 =	sld [smem:$0x3FAC];
	_ =	sdelay $0x3  }
0x37: {  	[smem:$0x3FAC] =	sst s10  }
0x38: {  	s10 =	sld [smem:$0x3FAD]  }
0x39: {  	_ = 	snop;
	(pc) =	sbr.ind lr, $3  }
0x3a: {  	_ = 	snop  }
0x3b: {  	_ = 	snop  }
0x3c: {  	p2 =	seq.s32 s10, $0x1;
	s10 =	sld [smem:$0x3FAC]  }
0x3d: {  	_ =	shalt  }
0x3e: {  	_ =	shalt  }
0x3f: {  	_ =	shalt  }
0x40: {  	_ =	shalt  }
0x41: {  	_ =	shalt  }
0x42: {  	_ =	shalt  }
0x43: {  	_ =	shalt  }
0x44: {  	_ =	shalt  }
0x45: {  	_ =	shalt  }
0x46: {  	_ =	shalt  }
0x47: {  	_ =	shalt  }
0x48: {  	_ =	shalt  }
0x49: {  	_ =	shalt  }
0x4a: {  	_ =	shalt  }
0x4b: {  	_ =	shalt  }
0x4c: {  	_ =	shalt  }
0x4d: {  	_ =	shalt  }
0x4e: {  	_ =	shalt  }
0x4f: {  	_ =	shalt  }
0x50: {  	_ =	shalt  }
0x51: {  	_ =	shalt  }
0x52: {  	_ =	shalt  }
0x53: {  	_ =	shalt  }
0x54: {  	_ =	shalt  }
0x55: {  	_ =	shalt  }
0x56: {  	_ =	shalt  }
0x57: {  	_ =	shalt  }
0x58: {  	_ =	shalt  }
0x59: {  	_ =	shalt  }
0x5a: {  	_ =	shalt  }
0x5b: {  	_ =	shalt  }
0x5c: {  	_ =	shalt  }
0x5d: {  	_ =	shalt  }
0x5e: {  	_ =	shalt  }
0x5f: {  	_ =	shalt  }
0x60: {  	_ =	shalt  }
0x61: {  	_ =	shalt  }
0x62: {  	_ =	shalt  }
0x63: {  	_ =	shalt  }
0x64: {  	_ =	shalt  }
0x65: {  	_ =	shalt  }
0x66: {  	_ =	shalt  }
0x67: {  	_ =	shalt  }
0x68: {  	_ =	shalt  }
0x69: {  	_ =	shalt  }
0x6a: {  	_ =	shalt  }
0x6b: {  	_ =	shalt  }
0x6c: {  	_ =	shalt  }
0x6d: {  	_ =	shalt  }
0x6e: {  	_ =	shalt  }
0x6f: {  	_ =	shalt  }
0x70: {  	_ =	shalt  }
0x71: {  	_ =	shalt  }
0x72: {  	_ =	shalt  }
0x73: {  	_ =	shalt  }
0x74: {  	_ =	shalt  }
0x75: {  	_ =	shalt  }
0x76: {  	_ =	shalt  }
0x77: {  	_ =	shalt  }
0x78: {  	_ =	shalt  }
0x79: {  	_ =	shalt  }
0x7a: {  	_ =	shalt  }
0x7b: {  	_ =	shalt  }
0x7c: {  	_ =	shalt  }
0x7d: {  	_ =	shalt  }
0x7e: {  	_ =	shalt  }
0x7f: {  	_ =	shalt  }
0x80: {  	_ =	shalt  }
0x81: {  	_ =	shalt  }
0x82: {  	_ =	shalt  }
0x83: {  	_ =	shalt  }
0x84: {  	_ =	shalt  }
0x85: {  	_ =	shalt  }
0x86: {  	_ =	shalt  }
0x87: {  	_ =	shalt  }
.Lfunc_end0:
.L_simem_size_0:
called_computation.1_lowered:
.L_overlay_start_0:
0x88: {  	s2 =	sld [smem:$0x3FD9]  }
0x89: {  	s3 =	sld [smem:$0x3FFE];
	_ =	sdelay $0x1  }
0x8a: {  	s1 =	srdreg.scid  }
0x8b: {  	s0 =	sand.u32 $0x1, s1  }
0x8c: {  	s16 =	sshll.u32 s0, $0xA;
	s2 =	sadd.s32 s3, s2  }
0x8d: {  	s2 =	sadd.s32 s2, s16  }
0x8e: {  	[smem:$0x3FB8] =	sst s2  }
0x8f: {  	_ = 	snop  }
0x90: {  	(tm) =	ssettm $0x1  }
0x91: {  	s17 =	sld [smem:$0x3FFB];
	_ =	sdelay $0x3  }
0x92: {  	_ =	strace s17  }
0x93: {  	s2 =	sld [smem:$0x3FFC];
	_ =	sdelay $0x3  }
0x94: {  	_ =	strace s2  }
0x95: {  	s2 =	sld [smem:$0x3FFD];
	_ =	sdelay $0x3  }
0x96: {  	_ =	strace s2  }
0x97: {  	_ =	strace $0x8FFFFFFF  }
0x98: {  	s18 =	sld [smem:$0x3FDB];
	_ =	sdelay $0x1  }
0x99: {  	s19 =	simm.s32 $_scs_section_size  }
0x9a: {  	s4 =	simm.s32 $_size__tile_overlayer_lowered;
	s5 =	simm.s32 $_tile_overlayer_lowered  }
0x9b: {  	s22 =	simm.s32 $0x1BFF;
	s21 =	sshll.u32 s5, $0x1;
	s2 =	sadd.s32 s19, s18  }
0x9c: {  	s6 =	simm.s32 $0x0;
	s20 =	sshll.u32 s4, $0x1;
	s4 =	sadd.s32 s21, s2  }
0x9d: {  	[timem:s6], [sflag:s22] =	dma.local [hbm:s4], s20  }
0x9e: {  	_ =	swait.ge [sflag:s22], s20  }
0x9f: {  	s3 =	ssub.s32 $0x0, s20;
	[sflag:s22] =	ssyncset.done $0x0  }
0xa0: {  	[sflag:s22] =	ssyncadd.s32 s3;
	_ =	sdelay $0x1  }
0xa1: {  	s23 =	simm.s32 $0x1B8B  }
0xa2: {  	_ =	swait.ge [sflag:s23], $0x1  }
0xa3: {  	[sflag:s23] =	ssyncset.done $0x0  }
0xa4: {  	s25 =	simm.s32 $0x1B8E;
	s24 =	sld [smem:$0x3FFE];
	[sflag:s23] =	ssyncadd.s32 $0xFFFFFFFF  }
0xa5: {  	s26 =	simm.s32 $execute0_lowered;
	[smem:$0x3FD2] =	sst s25  }
0xa6: {  	s4 =	sshll.u32 s26, $0x1;
	_ =	strace $0x80000049;
	[dreg:$0x1] =	wrdreg $0xFFFFFFFF  }
0xa7: {  	s28 =	simm.s32 $_size_execute0_lowered;
	s2 =	sadd.s32 s2, s4;
	[dreg:$0x0] =	wrdreg $0x0  }
0xa8: {  	s4 =	sshll.u32 s28, $0x1;
	[dreg:$0x2] =	wrdreg s2  }
0xa9: {  	[dreg:$0x3] =	wrdreg s4  }
0xaa: {  	[dreg:$0x4] =	wrdreg $0xC0  }
0xab: {  	_ =	task [dreg:s6], $0x5FFFF  }
0xac: {  	[dreg:$0x1] =	wrdreg $0xFFFFFFFF  }
0xad: {  	[dreg:$0x0] =	wrdreg $0x60  }
0xae: {  	[dreg:$0x2] =	wrdreg s24  }
0xaf: {  	[dreg:$0x3] =	wrdreg $0x9  }
0xb0: {  	_ =	task.clear_ibuf [dreg:s6], $0x4FFFF;
	_ =	strace $0x90000049  }
0xb1: {  	s29 =	simm.s32 $0x9;
	_ =	strace $0x8000004B  }
0xb2: {  	_ =	swait.ge [sflag:s29], $0x1  }
0xb3: {  	[sflag:s29] =	ssyncadd.s32 $0xFFFFFFFF  }
0xb4: {  	_ =	strace $0x9000004B  }
0xb5: {  	_ =	sfence  }
0xb6: {  	s30 =	sld [smem:$0x0];
	_ =	sdelay $0x2  }
0xb7: {  	s31 =	sshll.u32 s1, $0xD;
	s1 =	sshrl.u32 s1, $0x2  }
0xb8: {  	s3 =	sand.u32 $0x4000, s31;
	s1 =	sadd.s32 s1, s30  }
0xb9: {  	s0 =	sor.u32 s3, s0;
	s1 =	sshll.u32 s1, $0x11  }
0xba: {  	s0 =	sor.u32 s1, s0  }
0xbb: {  	s0 =	sadd.s32 $0x8F2B, s0  }
0xbc: {  	[sflag:s0] =	ssyncadd.remote.s32 $0x1  }
0xbd: {  	_ =	sfence.sel $0xFFFF  }
0xbe: {  	[dreg:$0x0] =	wrdreg $0xFFFFFFFF;
	(pc) =	sbr.abs _section_cstart, $3  }
0xbf: {  	[dreg:$0x1] =	wrdreg $0xFFFFFFFF  }
0xc0: {  	_ =	task.clear_ibuf [dreg:s6], $0x2FFFF;
	_ =	strace $0x9FFFFFFF  }
0xc1: {  	(tm) =	ssettm $0x7FFFFFFF  }
tec
execute0_lowered:
.L_overlay_start_1:
0x0: {  	(tag) =	ssettag $0x1  }
0x1: {  	s0 =	srdreg.scid;
	s5 =	rddreg [dreg:$0x0]  }
0x2: {  	s1 =	stileid.u32;
	s6 =	simm.s32 $0x1;
	s9 =	simm.s32 $0x1  }
0x3: {  	s10 =	simm.s32 $0x3;
	s13 =	simm.s32 $0x0;
	s2 =	sshll.u32 s0, $0x7  }
0x4: {  	s12 =	simm.s32 $0x0;
	s3 =	sshll.u32 s1, $0x8;
	s2 =	sand.u32 $0x80, s2  }
0x5: {  	s0 =	rddreg [dreg:$0x1];
	_ =	strace $0x8000004A;
	s2 =	sor.u32 s3, s2  }
0x6: {  	s4 =	sadd.s32 $0x2800, s5;
	[sflag:s6] =	ssyncpa.u1 $0x0;
	s8 =	ssub.s32 $0x1400, s2  }
.Ltmp0:
0x7: {  	s3 =	sadd.s32 $0x83200, s5;
	s7 =	sand.u32 $0xF80, s8;
	(pc) =	sbr.rel .LBB2_1-.Ltmp0, $4  }
0x8: {  	s5 =	sadd.s32 $0x83A00, s5;
	s11 =	smov.u32 s2;
	p0 =	sne.s32 s7, $0x0  }
0x9: {  	s8 =	sshrl.u32 s8, $0xC;
	s7 =	simm.s32 $0x2;
	s9 =	simm.s32 @!p0 $0x0  }
0xa: {  	[sflag:s7] =	ssyncpa.u1 $0x0;
	p0 =	por $0x0, $0x0;
	s8 =	sadd.s32 s9, s8  }
0xb: {  	vm0 =	vmmov $0xffff;
	[sflag:s10] =	ssyncpa.u1 $0x0;
	s10 =	simm.s32 $0x0;
	s9 =	sadd.s32 $0x1, s8  }
.LBB2_4:
0xc: {  	v2 =	vnsel vm1, $0x0, v2  }
0xd: {  	vm1 =	vgt.s32 v0, $0x0;
	v2 =	vmin.u32 v2, $0xFFF  }
0xe: {  	v0 =	vnsel vm1, $0x0, v0  }
0xf: {  	v0 =	vmin.u32 v0, $0xFFF  }
0x10: {  	[tilespmem:s15], [sflag:$0x1] =	stream.indirect_vreg.gather [hbm4b:s3+s10], $0x1, v1, vm0, $0x4038;
	[tilespmem:$0x200] =	vst v63  }
0x11: {  	(ifvalue) =	ssetifvalue $0x7FFFFFFF  }
0x12: {  	[tilespmem:s16], [sflag:$0x1] =	stream.indirect_vreg.gather [hbm4b:s3+s10], $0x1, v2, vm0, $0x4038;
	[tilespmem:$0x200] =	vst v63  }
0x13: {  	s29 =	sadd.s32 $0x10, s16;
	(ifvalue) =	ssetifvalue $0x7FFFFFFF  }
0x14: {  	[tilespmem:s29], [sflag:$0x1] =	stream.indirect_vreg.gather [hbm4b:s3+s10], $0x1, v0, vm0, $0x4038;
	[tilespmem:$0x200] =	vst v63  }
0x15: {  	_ =	swait.ge [sflag:s6], $0x80  }
0x16: {  	s30 =	sshrl.u32 s13, $0x3;
	[sflag:s6] =	ssyncset.done $0x0  }
0x17: {  	s31 =	sand.u32 $0x7, s13;
	s15 =	sadd.s32 s5, s30;
	[sflag:s6] =	ssyncadd.s32 $0xFFFFFF80  }
0x18: {  	[hbm4b:s15+s31] =	stream.linear.scatter [tilespmem:s14], [sflag:$0x3], $0x80, $0x38;
	[tilespmem:$0x200] =	vst v63  }
.LBB2_5:
0x19: {  	s15 =	sadd.s32 $0x1000, s11  }
0x1a: {  	p2 =	sgt.s32 s15, $0x13FF  }
0x1b: {  	s15 =	smov.u32 @p2 s2;
	p2 =	sne.s32 s12, s9  }
.Ltmp1:
0x1c: {  	p1 =	slt.u32 s12, $0x2;
	(pc) =	sbr.rel @!p2 .LBB2_6-.Ltmp1, $4  }
0x1d: {  	s14 =	simm.s32 @!p1 $0x3  }
0x1e: {  	s16 =	sadd.s32 $0x1, s12;
	_ =	swait.ge @!p1 [sflag:s14], $0x80  }
0x1f: {  	s13 =	smov.u32 s11;
	p0 =	por !p0, !p0;
	[sflag:s14] =	ssyncset.done @!p1 $0x0  }
0x20: {  	s12 =	smov.u32 s16;
	s11 =	smov.u32 s15;
	[sflag:s14] =	ssyncadd.s32 @!p1 $0xFFFFFF80  }
.LBB2_1:
0x21: {  	p1 =	sge.u32 s12, s8  }
0x22: {  	s14 =	sxor.u32 @!p1 $0xFFFFFFFF, s12  }
0x23: {  	s31 =	sadd.s32 $0xFFFFFFFF, s12;
	s15 =	sshrl.u32 @!p1 s11, $0x3;
	s14 =	sshll.u32 @!p1 s14, $0x7  }
0x24: {  	s16 =	sand.u32 @!p1 $0x7, s11;
	s15 =	sadd.s32 @!p1 s4, s15;
	s14 =	sand.u32 @!p1 $0x80, s14  }
0x25: {  	[tilespmem:s14], [sflag:$0x2] =	stream.linear.gather @!p1 [hbm4b:s15+s16], $0x80, $0x38;
	[tilespmem:$0x200] =	vst v63  }
0x26: {  	p1 =	sge.u32 s31, s8  }
.Ltmp2:
0x27: {  	_ = 	snop;
	(pc) =	sbr.rel @p1 .LBB2_5-.Ltmp2, $1  }
0x28: {  	_ =	sdelay $0x3  }
0x29: {  	s14 =	simm.s32 $0x1  }
0x2a: {  	_ =	swait.ge [sflag:s7], $0x80;
	s14 =	simm.s32 @!p0 $0x0  }
0x2b: {  	[sflag:s7] =	ssyncset.done $0x0;
	s14 =	sshll.u32 s14, $0x7  }
0x2c: {  	[sflag:s7] =	ssyncadd.s32 $0xFFFFFF80;
	(ifvalue) =	ssetifvalue $0x7FFFFFFF;
	v0 =	vld.msk [tilespmem:s14+$0x0 ss:$0x1], $0xffff;
	_ =	sdelay $0x4  }
0x2d: {  	s15 =	sadd.s32 $0x10, s14;
	vm1 =	vgt.s32 v0, $0x0  }
0x2e: {  	v2 =	vld.msk [tilespmem:s15+$0x0 ss:$0x1], $0xffff;
	v1 =	vnsel vm1, $0x0, v0  }
0x2f: {  	v1 =	vmin.u32 v1, $0xFFF;
	_ =	sdelay $0x1  }
0x30: {  	s16 =	sshll.u32 s12, $0x7;
	s18 =	simm.s32 $0x20  }
0x31: {  	s16 =	sand.u32 $0x80, s16;
	s17 =	sadd.s32 $0x10, s15;
	s15 =	sor.u32 $0x100, s14  }
0x32: {  	s14 =	sor.u32 $0x100, s16;
	s16 =	sadd.s32 $0x10, s15;
	v0 =	vld.msk [tilespmem:s17+$0x0 ss:$0x1], $0xffff;
	vm1 =	vgt.s32 v2, $0x0;
	(ifvalue) =	ssetifvalue $0x7FFFFFFF  }
.LBB2_3:
0x33: {  	[tilespmem:s15], [sflag:$0x1] =	stream.indirect_vreg.gather [hbm4b:s3+s10], $0x1, v1, vm0, $0x4038;
	[tilespmem:$0x200] =	vst v63  }
0x34: {  	s18 =	sadd.s32 $0x10, s18  }
0x35: {  	v2 =	vnsel vm1, $0x0, v2;
	p1 =	slt.u32 s18, $0x70  }
.Ltmp3:
0x36: {  	s15 =	smov.u32 s16;
	v1 =	vmin.u32 v2, $0xFFF;
	(pc) =	sbr.rel @p1 .LBB2_3-.Ltmp3, $3  }
0x37: {  	_ =	sdelay $0x1  }
0x38: {  	s17 =	sadd.s32 $0x10, s17  }
0x39: {  	vm1 =	vgt.s32 v0, $0x0;
	s16 =	sadd.s32 $0x10, s16;
	v2 =	vmov v0;
	(ifvalue) =	ssetifvalue $0x7FFFFFFF;
	v0 =	vld.msk [tilespmem:s17+$0x0 ss:$0x1], $0xffff  }
.Ltmp4:
0x3a: {  	_ = 	snop;
	(pc) =	sbr.rel .LBB2_4-.Ltmp4, $1  }
0x3b: {  	_ =	sdelay $0x3  }
.LBB2_6:
0x3c: {  	_ =	sfence.sel $0x180000  }
0x3d: {  	s2 =	simm.s32 $0x2;
	[bflag:$0x0] =	sbarrier.arrive $0xFFFF  }
0x3e: {  	s30 =	simm.s32 $0x3;
	[sflag:s2] =	ssyncpa.u1 $0x1  }
0x3f: {  	s31 =	simm.s32 $0x1;
	[sflag:s30] =	ssyncpa.u1 $0x1  }
0x40: {  	[sflag:s31] =	ssyncpa.u1 $0x1  }
0x41: {  	p0 =	sne.s32 s1, $0x0;
	_ =	strace $0x9000004A  }
0x42: {  	s0 =	sadd.s32 @!p0 $0x100000, s0;
	[bflag:$0x2] =	sbarrier.arrive $0xFFFF  }
0x43: {  	[sflag:s0] =	ssyncadd.tile.s32 @!p0 $0x1;
	_ =	shalt  }
.Lfunc_end2:
_tile_overlayer_lowered:
.L_overlay_start_2:
0x44: {  	(tag) =	ssettag $0x2  }
0x45: {  	s0 =	rddreg [dreg:$0x0];
	s2 =	stileid.u32  }
0x46: {  	s1 =	rddreg [dreg:$0x1];
	p0 =	sne.s32 s2, $0x0  }
0x47: {  	s3 =	rddreg [dreg:$0x2];
	[bflag:$0x3] =	sbarrier.arrive $0xFFFF;
	s2 =	simm.s32 @!p0 $0x1C01  }
0x48: {  	[timem:s3], [sflag:s2] =	dma.local @!p0 [hbm:s0], s1  }
0x49: {  	s0 =	simm.s32 @!p0 $0x1  }
0x4a: {  	_ =	swait.ge @!p0 [sflag:s0], s1  }
0x4b: {  	s1 =	ssub.s32 @!p0 $0x0, s1;
	[sflag:s0] =	ssyncset.done @!p0 $0x0  }
0x4c: {  	[sflag:s0] =	ssyncadd.s32 @!p0 s1  }
0x4d: {  	[bflag:$0x3] =	sbarrier.arrive $0xFFFF  }
0x4e: {  	_ =	shalt  }

// kernel: scatter_offload_async_start
scs
__scs_entry_jumppad:
0x0: {  	(pc) =	sbr.rel $0x88, $3  }
0x1: {  	(tag) =	ssettag $0x0;
	lr =	simm.s32 $0x1  }
0x2: {  	[smem:$0x3F91] =	sst lr;
	_ =	strace $0xD0000000  }
0x3: {  	_ = 	snop  }
0x4: {  	_ = 	snop  }
0x5: {  	_ = 	snop  }
0x6: {  	_ = 	snop  }
0x7: {  	_ = 	snop  }
__scs_overlays_trampoline_lowered:
0x8: {  	[smem:$0x3FA0] =	sst s0  }
0x9: {  	[smem:$0x3FA1] =	sst s1  }
0xa: {  	[smem:$0x3FA2] =	sst s2  }
0xb: {  	[smem:$0x3FA3] =	sst s3  }
0xc: {  	[smem:$0x3FA4] =	sst s4  }
0xd: {  	[smem:$0x3FA5] =	sst s5  }
0xe: {  	[smem:$0x3FA6] =	sst s6  }
0xf: {  	[smem:$0x3FA7] =	sst s7  }
0x10: {  	[smem:$0x3FA8] =	sst s8  }
0x11: {  	[smem:$0x3FA9] =	sst s9;
	s0 =	simm.s32 @!p0 $0x0  }
0x12: {  	s1 =	sld [smem:$0x3F8F];
	s0 =	simm.s32 @p0 $0x1  }
0x13: {  	[smem:$0x3FAA] =	sst s0;
	s0 =	simm.s32 @!p1 $0x0  }
0x14: {  	s2 =	sld [smem:$0x3F8E];
	s0 =	simm.s32 @p1 $0x1  }
0x15: {  	[smem:$0x3FAB] =	sst s0;
	s0 =	simm.s32 @!p2 $0x0  }
0x16: {  	s3 =	sld [smem:$0x3FDB];
	s0 =	simm.s32 @p2 $0x1  }
0x17: {  	s4 =	simm.s32 $0x1BF5;
	[smem:$0x3FAD] =	sst s0  }
0x18: {  	s0 =	sld [smem:$0x3F90];
	_ =	swait.ge [sflag:s4], $0x0  }
0x19: {  	s7 =	sld [smem:$0x3F91]  }
0x1a: {  	s8 =	sadd.s32 $0xFFFFE003, lr  }
0x1b: {  	s9 =	sadd.s32 $0xFFFFFEF7, lr;
	s5 =	simm.s32 $0xFFFFFFFF;
	p2 =	slt.u32 s8, $0xFFFFF086  }
0x1c: {  	p1 =	slt.u32 s9, $0xF7A;
	s5 =	simm.s32 @!p2 $0x0  }
0x1d: {  	s5 =	simm.s32 @p1 $0x1;
	p0 =	seq.s32 s7, s2  }
0x1e: {  	s7 =	smul.u32 @!p0 $0xF7A, s2;
	p2 =	seq.s32 @!p0 s5, $0x0  }
0x1f: {  	s9 =	smul.u32 $0xF7A, s1;
	s8 =	simm.s32 @!p0 $0x1BF5;
	p2 =	por !p2, p0  }
0x20: {  	[sflag:s8] =	ssyncset.s32 @!p0 $0xFFFFF086;
	s6 =	sadd.s32 @!p0 s3, s7;
	s7 =	simm.s32 @!p0 $0x108  }
0x21: {  	s3 =	sadd.s32 s3, s9;
	s6 =	sadd.s32 @!p0 $0x88, s6;
	s7 =	simm.s32 @p2 $0x1082  }
0x22: {  	[simem:s7], [sflag:s8] =	dma.local @!p0 [hbm:s6], $0xF7A  }
0x23: {  	s9 =	sor.u32 $0xD0000000, s2;
	s6 =	simm.s32 $0x108;
	_ =	swait.ge @!p0 [sflag:s8], $0x0  }
0x24: {  	s3 =	sadd.s32 $0x88, s3;
	s6 =	simm.s32 @!p1 $0x1082;
	[sflag:s4] =	ssyncset.s32 $0xFFFFF086  }
0x25: {  	[simem:s6], [sflag:s4] =	dma.local [hbm:s3], $0xF7A  }
0x26: {  	[smem:$0x3F91] =	sst s1;
	(tag) =	ssettag s2;
	_ =	strace s9  }
0x27: {  	s1 =	sld [smem:$0x3FA1]  }
0x28: {  	s2 =	sld [smem:$0x3FA2]  }
0x29: {  	s4 =	sld [smem:$0x3FA4]  }
0x2a: {  	p0 =	seq.s32 s5, $0x0;
	s5 =	sld [smem:$0x3FA5]  }
0x2b: {  	s6 =	sld [smem:$0x3FA6]  }
0x2c: {  	s7 =	sld [smem:$0x3FA7]  }
0x2d: {  	s3 =	simm.s32 $0x108;
	s8 =	sld [smem:$0x3FA8]  }
0x2e: {  	s3 =	simm.s32 @!p0 $0x1082;
	s9 =	sld [smem:$0x3FA9]  }
0x2f: {  	lr =	sadd.s32 s0, s3;
	s0 =	sld [smem:$0x3FA0]  }
0x30: {  	s3 =	sld [smem:$0x3FA3]  }
0x31: {  	[smem:$0x3FAC] =	sst s10  }
0x32: {  	s10 =	sld [smem:$0x3FAA];
	_ =	sdelay $0x3  }
0x33: {  	p0 =	seq.s32 s10, $0x1;
	s10 =	sld [smem:$0x3FAC];
	_ =	sdelay $0x3  }
0x34: {  	[smem:$0x3FAC] =	sst s10  }
0x35: {  	s10 =	sld [smem:$0x3FAB];
	_ =	sdelay $0x3  }
0x36: {  	p1 =	seq.s32 s10, $0x1;
	s10 =	sld [smem:$0x3FAC];
	_ =	sdelay $0x3  }
0x37: {  	[smem:$0x3FAC] =	sst s10  }
0x38: {  	s10 =	sld [smem:$0x3FAD]  }
0x39: {  	_ = 	snop;
	(pc) =	sbr.ind lr, $3  }
0x3a: {  	_ = 	snop  }
0x3b: {  	_ = 	snop  }
0x3c: {  	p2 =	seq.s32 s10, $0x1;
	s10 =	sld [smem:$0x3FAC]  }
0x3d: {  	_ =	shalt  }
0x3e: {  	_ =	shalt  }
0x3f: {  	_ =	shalt  }
0x40: {  	_ =	shalt  }
0x41: {  	_ =	shalt  }
0x42: {  	_ =	shalt  }
0x43: {  	_ =	shalt  }
0x44: {  	_ =	shalt  }
0x45: {  	_ =	shalt  }
0x46: {  	_ =	shalt  }
0x47: {  	_ =	shalt  }
0x48: {  	_ =	shalt  }
0x49: {  	_ =	shalt  }
0x4a: {  	_ =	shalt  }
0x4b: {  	_ =	shalt  }
0x4c: {  	_ =	shalt  }
0x4d: {  	_ =	shalt  }
0x4e: {  	_ =	shalt  }
0x4f: {  	_ =	shalt  }
0x50: {  	_ =	shalt  }
0x51: {  	_ =	shalt  }
0x52: {  	_ =	shalt  }
0x53: {  	_ =	shalt  }
0x54: {  	_ =	shalt  }
0x55: {  	_ =	shalt  }
0x56: {  	_ =	shalt  }
0x57: {  	_ =	shalt  }
0x58: {  	_ =	shalt  }
0x59: {  	_ =	shalt  }
0x5a: {  	_ =	shalt  }
0x5b: {  	_ =	shalt  }
0x5c: {  	_ =	shalt  }
0x5d: {  	_ =	shalt  }
0x5e: {  	_ =	shalt  }
0x5f: {  	_ =	shalt  }
0x60: {  	_ =	shalt  }
0x61: {  	_ =	shalt  }
0x62: {  	_ =	shalt  }
0x63: {  	_ =	shalt  }
0x64: {  	_ =	shalt  }
0x65: {  	_ =	shalt  }
0x66: {  	_ =	shalt  }
0x67: {  	_ =	shalt  }
0x68: {  	_ =	shalt  }
0x69: {  	_ =	shalt  }
0x6a: {  	_ =	shalt  }
0x6b: {  	_ =	shalt  }
0x6c: {  	_ =	shalt  }
0x6d: {  	_ =	shalt  }
0x6e: {  	_ =	shalt  }
0x6f: {  	_ =	shalt  }
0x70: {  	_ =	shalt  }
0x71: {  	_ =	shalt  }
0x72: {  	_ =	shalt  }
0x73: {  	_ =	shalt  }
0x74: {  	_ =	shalt  }
0x75: {  	_ =	shalt  }
0x76: {  	_ =	shalt  }
0x77: {  	_ =	shalt  }
0x78: {  	_ =	shalt  }
0x79: {  	_ =	shalt  }
0x7a: {  	_ =	shalt  }
0x7b: {  	_ =	shalt  }
0x7c: {  	_ =	shalt  }
0x7d: {  	_ =	shalt  }
0x7e: {  	_ =	shalt  }
0x7f: {  	_ =	shalt  }
0x80: {  	_ =	shalt  }
0x81: {  	_ =	shalt  }
0x82: {  	_ =	shalt  }
0x83: {  	_ =	shalt  }
0x84: {  	_ =	shalt  }
0x85: {  	_ =	shalt  }
0x86: {  	_ =	shalt  }
0x87: {  	_ =	shalt  }
.Lfunc_end0:
.L_simem_size_0:
called_computation_lowered:
.L_overlay_start_0:
0x88: {  	s0 =	sld [smem:$0x3FD9]  }
0x89: {  	s1 =	sld [smem:$0x3FFE];
	_ =	sdelay $0x3  }
0x8a: {  	s0 =	sadd.s32 s1, s0  }
0x8b: {  	[smem:$0x3FB8] =	sst s0  }
0x8c: {  	_ = 	snop  }
0x8d: {  	(tm) =	ssettm $0x1  }
0x8e: {  	s15 =	sld [smem:$0x3FFB];
	_ =	sdelay $0x3  }
0x8f: {  	_ =	strace s15  }
0x90: {  	s0 =	sld [smem:$0x3FFC];
	_ =	sdelay $0x3  }
0x91: {  	_ =	strace s0  }
0x92: {  	s0 =	sld [smem:$0x3FFD];
	_ =	sdelay $0x3  }
0x93: {  	_ =	strace s0  }
0x94: {  	_ =	strace $0x8FFFFFFF  }
0x95: {  	s16 =	sld [smem:$0x3FDB];
	_ =	sdelay $0x1  }
0x96: {  	s17 =	simm.s32 $_scs_section_size  }
0x97: {  	s2 =	simm.s32 $_size__tile_overlayer_lowered;
	s3 =	simm.s32 $_tile_overlayer_lowered  }
0x98: {  	s20 =	simm.s32 $0x1BFF;
	s19 =	sshll.u32 s3, $0x1;
	s0 =	sadd.s32 s17, s16  }
0x99: {  	s4 =	simm.s32 $0x0;
	s18 =	sshll.u32 s2, $0x1;
	s2 =	sadd.s32 s19, s0  }
0x9a: {  	[timem:s4], [sflag:s20] =	dma.local [hbm:s2], s18  }
0x9b: {  	_ =	swait.ge [sflag:s20], s18  }
0x9c: {  	s1 =	ssub.s32 $0x0, s18;
	[sflag:s20] =	ssyncset.done $0x0  }
0x9d: {  	[sflag:s20] =	ssyncadd.s32 s1;
	_ =	sdelay $0x1  }
0x9e: {  	s21 =	simm.s32 $0x1B8B  }
0x9f: {  	_ =	swait.ge [sflag:s21], $0x1  }
0xa0: {  	[sflag:s21] =	ssyncset.done $0x0  }
0xa1: {  	s23 =	simm.s32 $0x1B8E;
	s22 =	sld [smem:$0x3FFE];
	[sflag:s21] =	ssyncadd.s32 $0xFFFFFFFF  }
0xa2: {  	s24 =	simm.s32 $execute0_lowered;
	[smem:$0x3FD2] =	sst s23  }
0xa3: {  	s2 =	sshll.u32 s24, $0x1;
	_ =	strace $0x80000046;
	[dreg:$0x1] =	wrdreg $0xFFFFFFFF  }
0xa4: {  	s25 =	simm.s32 $_size_execute0_lowered;
	s0 =	sadd.s32 s0, s2;
	[dreg:$0x0] =	wrdreg $0x0  }
0xa5: {  	s2 =	sshll.u32 s25, $0x1;
	[dreg:$0x2] =	wrdreg s0  }
0xa6: {  	[dreg:$0x3] =	wrdreg s2  }
0xa7: {  	[dreg:$0x4] =	wrdreg $0xC0  }
0xa8: {  	_ =	task [dreg:s4], $0x5FFFF  }
0xa9: {  	[dreg:$0x1] =	wrdreg $0xFFFFFFFF  }
0xaa: {  	[dreg:$0x0] =	wrdreg $0x60  }
0xab: {  	[dreg:$0x2] =	wrdreg s22  }
0xac: {  	[dreg:$0x3] =	wrdreg $0x9  }
0xad: {  	_ =	task.clear_ibuf [dreg:s4], $0x4FFFF;
	_ =	strace $0x90000046  }
0xae: {  	s26 =	simm.s32 $0x9;
	_ =	strace $0x80000048  }
0xaf: {  	_ =	swait.ge [sflag:s26], $0x1  }
0xb0: {  	[sflag:s26] =	ssyncadd.s32 $0xFFFFFFFF  }
0xb1: {  	_ =	strace $0x90000048  }
0xb2: {  	_ =	sfence  }
0xb3: {  	s28 =	sld [smem:$0x0];
	_ =	sdelay $0x1  }
0xb4: {  	s29 =	srdreg.scid  }
0xb5: {  	s30 =	sshll.u32 s29, $0xD;
	s31 =	sshrl.u32 s29, $0x2  }
0xb6: {  	s1 =	sand.u32 $0x1, s29;
	s2 =	sand.u32 $0x4000, s30;
	s0 =	sadd.s32 s31, s28  }
0xb7: {  	s1 =	sor.u32 s2, s1;
	s0 =	sshll.u32 s0, $0x11  }
0xb8: {  	s0 =	sor.u32 s0, s1  }
0xb9: {  	s0 =	sadd.s32 $0x8F2B, s0  }
0xba: {  	[sflag:s0] =	ssyncadd.remote.s32 $0x1  }
0xbb: {  	_ =	sfence.sel $0xFFFF  }
0xbc: {  	[dreg:$0x0] =	wrdreg $0xFFFFFFFF;
	(pc) =	sbr.abs _section_cstart, $3  }
0xbd: {  	[dreg:$0x1] =	wrdreg $0xFFFFFFFF  }
0xbe: {  	_ =	task.clear_ibuf [dreg:s4], $0x2FFFF;
	_ =	strace $0x9FFFFFFF  }
0xbf: {  	(tm) =	ssettm $0x7FFFFFFF  }
tec
execute0_lowered:
.L_overlay_start_1:
0x0: {  	(tag) =	ssettag $0x1  }
0x1: {  	s5 =	rddreg [dreg:$0x0]  }
0x2: {  	s0 =	rddreg [dreg:$0x1];
	_ =	strace $0x80000047;
	s6 =	stileid.u32  }
0x3: {  	s3 =	simm.s32 $0x3E;
	s1 =	sadd.s32 $0x83600, s5;
	p0 =	sne.s32 s6, $0x0  }
0x4: {  	[sflag:s3] =	ssyncpa.u1 $0x0;
	s4 =	simm.s32 @!p0 $0x1C3E;
	s2 =	simm.s32 @!p0 $0x0  }
0x5: {  	[spmem:s2], [sflag:s4] =	dma.local @!p0 [hbm:s1], $0x10  }
0x6: {  	s4 =	simm.s32 @!p0 $0x3E  }
0x7: {  	_ =	swait.ge @!p0 [sflag:s4], $0x10  }
0x8: {  	[sflag:s4] =	ssyncset.done @!p0 $0x0  }
0x9: {  	s9 =	simm.s32 $0x108;
	[sflag:s4] =	ssyncadd.s32 @!p0 $0xFFFFFFF0  }
0xa: {  	s7 =	sadd.s32 $0x2E00, s5;
	s8 =	sadd.s32 $0x83400, s5;
	[bflag:$0x0] =	sbarrier.arrive $0xFFFF  }
0xb: {  	s6 =	sshll.u32 s6, $0x5;
	[sflag:s3] =	ssyncpa.u1 $0x1;
	s3 =	simm.s32 $0x1  }
0xc: {  	s5 =	simm.s32 $0x0;
	s4 =	simm.s32 $0x2;
	[sflag:s3] =	ssyncpa.u1 $0x0  }
0xd: {  	s7 =	sadd.s32 s7, s6;
	(ifvalue) =	ssetifvalue $0x80;
	[sflag:s4] =	ssyncpa.u1 $0x0  }
0xe: {  	[tilespmem:s9], [sflag:$0x2] =	stream.linear.gather [hbm4b:s7+s5], $0x100, $0x38;
	[tilespmem:$0x408] =	vst v63  }
0xf: {  	s23 =	simm.s32 $0x308;
	s6 =	sadd.s32 s8, s6  }
0x10: {  	[tilespmem:s23], [sflag:$0x2] =	stream.linear.gather [hbm4b:s6+s5], $0x100, $0x38;
	[tilespmem:$0x408] =	vst v63  }
0x11: {  	_ =	swait.ge [sflag:s4], $0x200  }
0x12: {  	[sflag:s4] =	ssyncset.done $0x0  }
0x13: {  	[sflag:s4] =	ssyncadd.s32 $0xFFFFFE00  }
0x14: {  	v0 =	vld.msk [tilespmem:s9+$0x0 ss:$0x1], $0xffff;
	_ =	sdelay $0x4  }
0x15: {  	v0 =	vmin.u32 v0, $0x80;
	_ =	sdelay $0x3  }
0x16: {  	vm0 =	vmmov $0xffff;
	s24 =	simm.s32 $0x118  }
0x17: {  	[spmem:s5] =	stream.indirect_vreg.scatter.add.s32 [tilespmem:s23], [sflag:$0x1], $0x1, v0, vm0, $0x4038;
	[tilespmem:$0x408] =	vst v63  }
0x18: {  	v0 =	vld.msk [tilespmem:s24+$0x0 ss:$0x1], $0xffff;
	_ =	sdelay $0x4  }
0x19: {  	v0 =	vmin.u32 v0, $0x80;
	_ =	sdelay $0x3  }
0x1a: {  	s25 =	simm.s32 $0x318;
	s26 =	simm.s32 $0x128  }
0x1b: {  	[spmem:s5] =	stream.indirect_vreg.scatter.add.s32 [tilespmem:s25], [sflag:$0x1], $0x1, v0, vm0, $0x4038;
	[tilespmem:$0x408] =	vst v63  }
0x1c: {  	v0 =	vld.msk [tilespmem:s26+$0x0 ss:$0x1], $0xffff;
	_ =	sdelay $0x4  }
0x1d: {  	v0 =	vmin.u32 v0, $0x80;
	_ =	sdelay $0x3  }
0x1e: {  	s28 =	simm.s32 $0x328;
	s29 =	simm.s32 $0x138  }
0x1f: {  	[spmem:s5] =	stream.indirect_vreg.scatter.add.s32 [tilespmem:s28], [sflag:$0x1], $0x1, v0, vm0, $0x4038;
	[tilespmem:$0x408] =	vst v63  }
0x20: {  	v0 =	vld.msk [tilespmem:s29+$0x0 ss:$0x1], $0xffff;
	_ =	sdelay $0x4  }
0x21: {  	v0 =	vmin.u32 v0, $0x80;
	_ =	sdelay $0x3  }
0x22: {  	s30 =	simm.s32 $0x338;
	s31 =	simm.s32 $0x148  }
0x23: {  	[spmem:s5] =	stream.indirect_vreg.scatter.add.s32 [tilespmem:s30], [sflag:$0x1], $0x1, v0, vm0, $0x4038;
	[tilespmem:$0x408] =	vst v63  }
0x24: {  	v0 =	vld.msk [tilespmem:s31+$0x0 ss:$0x1], $0xffff;
	_ =	sdelay $0x4  }
0x25: {  	v0 =	vmin.u32 v0, $0x80;
	_ =	sdelay $0x3  }
0x26: {  	s8 =	simm.s32 $0x158;
	s7 =	simm.s32 $0x348  }
0x27: {  	[spmem:s5] =	stream.indirect_vreg.scatter.add.s32 [tilespmem:s7], [sflag:$0x1], $0x1, v0, vm0, $0x4038;
	[tilespmem:$0x408] =	vst v63  }
0x28: {  	v0 =	vld.msk [tilespmem:s8+$0x0 ss:$0x1], $0xffff;
	_ =	sdelay $0x4  }
0x29: {  	v0 =	vmin.u32 v0, $0x80;
	_ =	sdelay $0x3  }
0x2a: {  	s10 =	simm.s32 $0x168;
	s9 =	simm.s32 $0x358  }
0x2b: {  	[spmem:s5] =	stream.indirect_vreg.scatter.add.s32 [tilespmem:s9], [sflag:$0x1], $0x1, v0, vm0, $0x4038;
	[tilespmem:$0x408] =	vst v63  }
0x2c: {  	v0 =	vld.msk [tilespmem:s10+$0x0 ss:$0x1], $0xffff;
	_ =	sdelay $0x4  }
0x2d: {  	v0 =	vmin.u32 v0, $0x80;
	_ =	sdelay $0x3  }
0x2e: {  	s11 =	simm.s32 $0x368;
	s12 =	simm.s32 $0x178  }
0x2f: {  	[spmem:s5] =	stream.indirect_vreg.scatter.add.s32 [tilespmem:s11], [sflag:$0x1], $0x1, v0, vm0, $0x4038;
	[tilespmem:$0x408] =	vst v63  }
0x30: {  	v0 =	vld.msk [tilespmem:s12+$0x0 ss:$0x1], $0xffff;
	_ =	sdelay $0x4  }
0x31: {  	v0 =	vmin.u32 v0, $0x80;
	_ =	sdelay $0x3  }
0x32: {  	s13 =	simm.s32 $0x378;
	s14 =	simm.s32 $0x188  }
0x33: {  	[spmem:s5] =	stream.indirect_vreg.scatter.add.s32 [tilespmem:s13], [sflag:$0x1], $0x1, v0, vm0, $0x4038;
	[tilespmem:$0x408] =	vst v63  }
0x34: {  	v0 =	vld.msk [tilespmem:s14+$0x0 ss:$0x1], $0xffff;
	_ =	sdelay $0x4  }
0x35: {  	v0 =	vmin.u32 v0, $0x80;
	_ =	sdelay $0x3  }
0x36: {  	s15 =	simm.s32 $0x388;
	s16 =	simm.s32 $0x198  }
0x37: {  	[spmem:s5] =	stream.indirect_vreg.scatter.add.s32 [tilespmem:s15], [sflag:$0x1], $0x1, v0, vm0, $0x4038;
	[tilespmem:$0x408] =	vst v63  }
0x38: {  	v0 =	vld.msk [tilespmem:s16+$0x0 ss:$0x1], $0xffff;
	_ =	sdelay $0x4  }
0x39: {  	v0 =	vmin.u32 v0, $0x80;
	_ =	sdelay $0x3  }
0x3a: {  	s17 =	simm.s32 $0x398;
	s18 =	simm.s32 $0x1A8  }
0x3b: {  	[spmem:s5] =	stream.indirect_vreg.scatter.add.s32 [tilespmem:s17], [sflag:$0x1], $0x1, v0, vm0, $0x4038;
	[tilespmem:$0x408] =	vst v63  }
0x3c: {  	v0 =	vld.msk [tilespmem:s18+$0x0 ss:$0x1], $0xffff;
	_ =	sdelay $0x4  }
0x3d: {  	v0 =	vmin.u32 v0, $0x80;
	_ =	sdelay $0x3  }
0x3e: {  	s19 =	simm.s32 $0x3A8;
	s20 =	simm.s32 $0x1B8  }
0x3f: {  	[spmem:s5] =	stream.indirect_vreg.scatter.add.s32 [tilespmem:s19], [sflag:$0x1], $0x1, v0, vm0, $0x4038;
	[tilespmem:$0x408] =	vst v63  }
0x40: {  	v0 =	vld.msk [tilespmem:s20+$0x0 ss:$0x1], $0xffff;
	_ =	sdelay $0x4  }
0x41: {  	v0 =	vmin.u32 v0, $0x80;
	_ =	sdelay $0x3  }
0x42: {  	s21 =	simm.s32 $0x3B8;
	s22 =	simm.s32 $0x1C8  }
0x43: {  	[spmem:s5] =	stream.indirect_vreg.scatter.add.s32 [tilespmem:s21], [sflag:$0x1], $0x1, v0, vm0, $0x4038;
	[tilespmem:$0x408] =	vst v63  }
0x44: {  	v0 =	vld.msk [tilespmem:s22+$0x0 ss:$0x1], $0xffff;
	_ =	sdelay $0x4  }
0x45: {  	v0 =	vmin.u32 v0, $0x80;
	_ =	sdelay $0x3  }
0x46: {  	s23 =	simm.s32 $0x3C8;
	s24 =	simm.s32 $0x1D8  }
0x47: {  	[spmem:s5] =	stream.indirect_vreg.scatter.add.s32 [tilespmem:s23], [sflag:$0x1], $0x1, v0, vm0, $0x4038;
	[tilespmem:$0x408] =	vst v63  }
0x48: {  	v0 =	vld.msk [tilespmem:s24+$0x0 ss:$0x1], $0xffff;
	_ =	sdelay $0x4  }
0x49: {  	v0 =	vmin.u32 v0, $0x80;
	_ =	sdelay $0x3  }
0x4a: {  	s25 =	simm.s32 $0x3D8;
	s26 =	simm.s32 $0x1E8  }
0x4b: {  	[spmem:s5] =	stream.indirect_vreg.scatter.add.s32 [tilespmem:s25], [sflag:$0x1], $0x1, v0, vm0, $0x4038;
	[tilespmem:$0x408] =	vst v63  }
0x4c: {  	v0 =	vld.msk [tilespmem:s26+$0x0 ss:$0x1], $0xffff;
	_ =	sdelay $0x4  }
0x4d: {  	v0 =	vmin.u32 v0, $0x80;
	_ =	sdelay $0x3  }
0x4e: {  	s28 =	simm.s32 $0x3E8;
	s29 =	simm.s32 $0x1F8  }
0x4f: {  	[spmem:s5] =	stream.indirect_vreg.scatter.add.s32 [tilespmem:s28], [sflag:$0x1], $0x1, v0, vm0, $0x4038;
	[tilespmem:$0x408] =	vst v63  }
0x50: {  	v0 =	vld.msk [tilespmem:s29+$0x0 ss:$0x1], $0xffff;
	_ =	sdelay $0x4  }
0x51: {  	v0 =	vmin.u32 v0, $0x80;
	_ =	sdelay $0x3  }
0x52: {  	s30 =	simm.s32 $0x3F8  }
0x53: {  	[spmem:s5] =	stream.indirect_vreg.scatter.add.s32 [tilespmem:s30], [sflag:$0x1], $0x1, v0, vm0, $0x4038;
	[tilespmem:$0x408] =	vst v63  }
0x54: {  	_ =	swait.ge [sflag:s3], $0x100  }
0x55: {  	[sflag:s3] =	ssyncset.done $0x0  }
0x56: {  	[sflag:s3] =	ssyncadd.s32 $0xFFFFFF00  }
0x57: {  	_ =	sfence.sel $0x180000  }
0x58: {  	[bflag:$0x0] =	sbarrier.arrive $0xFFFF  }
0x59: {  	[sflag:s4] =	ssyncpa.u1 $0x1  }
0x5a: {  	[sflag:s3] =	ssyncpa.u1 $0x1  }
0x5b: {  	_ =	sfence.stream.spmem  }
0x5c: {  	s31 =	simm.s32 $0x3D;
	[bflag:$0x0] =	sbarrier.arrive $0xFFFF  }
0x5d: {  	s3 =	simm.s32 @p0 $0x3D;
	[sflag:s31] =	ssyncpa.u1 $0x0  }
0x5e: {  	[sflag:s3] =	ssyncpa.u1 @p0 $0x1  }
0x5f: {  	[bflag:$0x0] =	sbarrier.arrive @p0 $0xFFFF  }
0x60: {  	_ =	strace @p0 $0x90000047  }
0x61: {  	s3 =	simm.s32 @!p0 $0x1C3D;
	[bflag:$0x2] =	sbarrier.arrive @p0 $0xFFFF  }
0x62: {  	[hbm:s1], [sflag:s3] =	dma.local @!p0 [spmem:s2], $0x10  }
0x63: {  	s1 =	simm.s32 @!p0 $0x3D  }
0x64: {  	_ =	swait.ge @!p0 [sflag:s1], $0x10  }
0x65: {  	[sflag:s1] =	ssyncset.done @!p0 $0x0  }
0x66: {  	[sflag:s1] =	ssyncadd.s32 @!p0 $0xFFFFFFF0  }
0x67: {  	[sflag:s1] =	ssyncpa.u1 @!p0 $0x1  }
0x68: {  	[bflag:$0x0] =	sbarrier.arrive @!p0 $0xFFFF  }
0x69: {  	_ =	strace @!p0 $0x90000047  }
0x6a: {  	s0 =	sadd.s32 @!p0 $0x100000, s0;
	[bflag:$0x2] =	sbarrier.arrive @!p0 $0xFFFF  }
0x6b: {  	[sflag:s0] =	ssyncadd.tile.s32 @!p0 $0x1;
	_ =	shalt  }
.Lfunc_end2:
_tile_overlayer_lowered:
.L_overlay_start_2:
0x6c: {  	(tag) =	ssettag $0x2  }
0x6d: {  	s0 =	rddreg [dreg:$0x0];
	s2 =	stileid.u32  }
0x6e: {  	s1 =	rddreg [dreg:$0x1];
	p0 =	sne.s32 s2, $0x0  }
0x6f: {  	s3 =	rddreg [dreg:$0x2];
	[bflag:$0x3] =	sbarrier.arrive $0xFFFF;
	s2 =	simm.s32 @!p0 $0x1C01  }
0x70: {  	[timem:s3], [sflag:s2] =	dma.local @!p0 [hbm:s0], s1  }
0x71: {  	s0 =	simm.s32 @!p0 $0x1  }
0x72: {  	_ =	swait.ge @!p0 [sflag:s0], s1  }
0x73: {  	s1 =	ssub.s32 @!p0 $0x0, s1;
	[sflag:s0] =	ssyncset.done @!p0 $0x0  }
0x74: {  	[sflag:s0] =	ssyncadd.s32 @!p0 s1  }
0x75: {  	[bflag:$0x3] =	sbarrier.arrive $0xFFFF  }
0x76: {  	_ =	shalt  }

</sc_bundles>
